<compile_context>
chip_gen: v7x
topology: tpu7x:2x2x1
jax: 0.10.2.dev20260603
libtpu: 0.0.44.dev20260713+nightly
codegen_flags: <defaults>
</compile_context>

<pallas_src>
import functools

import jax
import jax.numpy as jnp
from jax import lax
from jax.experimental import pallas as pl
from jax.experimental.pallas import tpu as pltpu
from jax.experimental.pallas import tpu_sc as plsc

N = 10000
E = 320000
D_IN = 128
D_H = 64
D_OUT = 128

NC = 2
NS = 16
NW = NC * NS
CHUNK = 80
CHM = 125
N_ACC = 10240
RPT = N_ACC // NS
RPA = N // NS
K = 5
NWAVE = CHM // K


def _sc_degrees_body(src_hbm, dst_hbm, ones_hbm, zrow_hbm,
                     deg_hbm, src_v, dst_v, ones_v, dego_sp, degi_sp, sems):
    c = lax.axis_index("c")
    s = lax.axis_index("s")
    wid = s * NC + c
    base = s * RPT
    pltpu.sync_copy(zrow_hbm, dego_sp.at[pl.ds(base, RPT)])
    pltpu.sync_copy(zrow_hbm, degi_sp.at[pl.ds(base, RPT)])
    pltpu.sync_copy(ones_hbm, ones_v)
    pltpu.sync_copy(src_hbm.at[wid], src_v)
    pltpu.sync_copy(dst_hbm.at[wid], dst_v)
    plsc.subcore_barrier()

    def body(i, carry):
        j = i * K
        descs = [
            pltpu.async_copy(ones_v, dego_sp.at[src_v.at[j + b]], sems.at[b],
                             add=True)
            for b in range(K)
        ] + [
            pltpu.async_copy(ones_v, degi_sp.at[dst_v.at[j + b]], sems.at[K + b],
                             add=True)
            for b in range(K)
        ]
        for d in descs:
            d.wait()
        return carry

    lax.fori_loop(0, NWAVE, body, 0)
    plsc.subcore_barrier()
    pltpu.sync_copy(dego_sp.at[pl.ds(base, RPT)], deg_hbm.at[c, 0, pl.ds(base, RPT)])
    pltpu.sync_copy(degi_sp.at[pl.ds(base, RPT)], deg_hbm.at[c, 1, pl.ds(base, RPT)])


def _sc_aggregate_body(u_hbm, src_hbm, dst_hbm, zblk_hbm,
                       out_hbm, src_v, dst_v, bufs, acc_sp, gsems, ssems):
    c = lax.axis_index("c")
    s = lax.axis_index("s")
    wid = s * NC + c
    pltpu.sync_copy(src_hbm.at[wid], src_v)
    pltpu.sync_copy(dst_hbm.at[wid], dst_v)
    for k in range(RPA // CHM):
        pltpu.sync_copy(zblk_hbm, acc_sp.at[pl.ds(s * RPA + k * CHM, CHM)])
    plsc.subcore_barrier()

    def body(i, carry):
        base = i * K
        gd = [
            pltpu.async_copy(u_hbm.at[src_v.at[base + b]], bufs.at[b], gsems.at[b])
            for b in range(K)
        ]
        sd = []
        for b in range(K):
            gd[b].wait()
            sd.append(pltpu.async_copy(
                bufs.at[b], acc_sp.at[dst_v.at[base + b]], ssems.at[b], add=True))
        for b in range(K):
            sd[b].wait()
        return carry

    lax.fori_loop(0, NWAVE, body, 0)
    plsc.subcore_barrier()
    pltpu.sync_copy(acc_sp.at[pl.ds(s * RPA, RPA)], out_hbm.at[c, pl.ds(s * RPA, RPA)])


@functools.lru_cache(maxsize=1)
def _sc_kernels():
    mesh = plsc.VectorSubcoreMesh(
        core_axis_name="c", subcore_axis_name="s", num_cores=NC, num_subcores=NS
    )
    params = pltpu.CompilerParams(use_tc_tiling_on_sc=False)
    sc_degrees = pl.kernel(
        _sc_degrees_body,
        out_type=jax.ShapeDtypeStruct((NC, 2, N_ACC), jnp.float32),
        mesh=mesh,
        compiler_params=params,
        scratch_types=[
            pltpu.VMEM((CHM, CHUNK), jnp.int32),
            pltpu.VMEM((CHM, CHUNK), jnp.int32),
            pltpu.VMEM((CHUNK,), jnp.float32),
            pltpu.VMEM_SHARED((N_ACC,), jnp.float32),
            pltpu.VMEM_SHARED((N_ACC,), jnp.float32),
            pltpu.SemaphoreType.DMA((2 * K,)),
        ],
    )
    sc_aggregate = pl.kernel(
        _sc_aggregate_body,
        out_type=jax.ShapeDtypeStruct((NC, N, D_H), jnp.bfloat16),
        mesh=mesh,
        compiler_params=params,
        scratch_types=[
            pltpu.VMEM((CHM, CHUNK), jnp.int32),
            pltpu.VMEM((CHM, CHUNK), jnp.int32),
            pltpu.VMEM((K, CHUNK, D_H), jnp.bfloat16),
            pltpu.VMEM_SHARED((N, D_H), jnp.bfloat16),
            pltpu.SemaphoreType.DMA((K,)),
            pltpu.SemaphoreType.DMA((K,)),
        ],
    )
    return sc_degrees, sc_aggregate


def _tc_u(x_ref, w_ref, degp_ref, u_ref):
    dp = degp_ref[...]
    deg_out = (dp[0, 0] + dp[1, 0])[:N]
    norm = lax.rsqrt(jnp.maximum(deg_out, 1.0))
    xn = x_ref[...] * norm[:, None]
    u_ref[...] = lax.dot_general(
        xn, w_ref[...], (((1,), (0,)), ((), ())),
        preferred_element_type=jnp.float32).astype(jnp.bfloat16)


def _tc_out(aggp_ref, degp_ref, bg_ref, wo_ref, bo_ref, o_ref):
    dp = degp_ref[...]
    deg_in = (dp[0, 1] + dp[1, 1])[:N]
    norm = lax.rsqrt(jnp.maximum(deg_in, 1.0))
    agg = (aggp_ref[0].astype(jnp.float32) + aggp_ref[1].astype(jnp.float32))
    h = jnp.maximum(agg * norm[:, None] + bg_ref[0][None, :], 0.0)
    o_ref[...] = lax.dot_general(
        h, wo_ref[...], (((1,), (0,)), ((), ())),
        preferred_element_type=jnp.float32) + bo_ref[0][None, :]


def kernel(edge_index, features, W_gcn, b_gcn, W_out, b_out):
    src_m = edge_index[0].reshape(NW, CHM, CHUNK)
    dst_m = edge_index[1].reshape(NW, CHM, CHUNK)
    ones = jnp.ones((CHUNK,), jnp.float32)
    zrow = jnp.zeros((RPT,), jnp.float32)
    zblk = jnp.zeros((CHM, D_H), jnp.bfloat16)

    sc_degrees, sc_aggregate = _sc_kernels()
    degp = sc_degrees(src_m, dst_m, ones, zrow)
    u = pl.pallas_call(
        _tc_u, out_shape=jax.ShapeDtypeStruct((N, D_H), jnp.bfloat16),
    )(features, W_gcn, degp)
    aggp = sc_aggregate(u, src_m, dst_m, zblk)
    out = pl.pallas_call(
        _tc_out, out_shape=jax.ShapeDtypeStruct((N, D_OUT), jnp.float32),
    )(aggp, degp, b_gcn.reshape(1, D_H), W_out, b_out.reshape(1, D_OUT))
    return out

# --- scband reference (transcript-rebuilt; emitter-appended) ---
"""Pipeline reference for scband-tensor-completer-30434138260018 (READ-ONLY COPY).

The authoritative reference and input builder live on the scoring server;
editing this copy changes nothing except your own understanding.
"""

import jax, jax.numpy as jnp
import numpy as np

N = 10000
E = 320000
D_IN = 128
D_H = 64
D_OUT = 128


def setup_inputs(seed: int = 0) -> dict:
    key = jax.random.key(seed)
    k1, k2, k3, k4, k5, k6 = jax.random.split(key, 6)
    features = jax.random.normal(k1, (N, D_IN), dtype=jnp.float32)
    edge_index = jax.random.randint(k2, (2, E), 0, N, dtype=jnp.int32)
    # GraphConv weight (glorot-ish) and bias
    W_gcn = jax.random.normal(k3, (D_IN, D_H), dtype=jnp.float32) * (1.0 / np.sqrt(D_IN))
    b_gcn = jnp.zeros((D_H,), dtype=jnp.float32)
    # Output linear layer
    W_out = jax.random.normal(k4, (D_H, D_OUT), dtype=jnp.float32) * (1.0 / np.sqrt(D_H))
    b_out = jax.random.normal(k5, (D_OUT,), dtype=jnp.float32) * 0.01
    return {"edge_index": edge_index, "features": features, "W_gcn": W_gcn,
            "b_gcn": b_gcn, "W_out": W_out, "b_out": b_out}


def reference(edge_index, features, W_gcn, b_gcn, W_out, b_out):
    # DGL GraphConv with norm='both': h = D_dst^{-1/2} A D_src^{-1/2} X W + b
    src = edge_index[0]
    dst = edge_index[1]
    ones = jnp.ones((E,), dtype=jnp.float32)
    deg_out = jax.ops.segment_sum(ones, src, num_segments=N)
    deg_in = jax.ops.segment_sum(ones, dst, num_segments=N)
    norm_src = jax.lax.rsqrt(jnp.maximum(deg_out, 1.0))
    norm_dst = jax.lax.rsqrt(jnp.maximum(deg_in, 1.0))
    # in_dim (128) > out_dim (64): DGL multiplies by W first to reduce message width
    h = features * norm_src[:, None]
    h = h @ W_gcn
    msg = jnp.take(h, src, axis=0)
    agg = jax.ops.segment_sum(msg, dst, num_segments=N)
    agg = agg * norm_dst[:, None] + b_gcn
    h = jax.nn.relu(agg)
    out = h @ W_out + b_out
    return out

if __name__ == "__main__":
    import jax
    _d = setup_inputs()
    print(jax.jit(kernel)(*tuple(_d.values())))

</pallas_src>

<mosaic_0001>
#map = affine_map<(d0, d1) -> (0, 0)>
#map1 = affine_map<(d0, d1) -> (0, 0, 0)>
module attributes {stable_mosaic.version = 14 : i64} {
  func.func @_sc_aggregate_body(%arg0: i32, %arg1: i32, %arg2: memref<10000x64xbf16, #tpu.memory_space<hbm>>, %arg3: memref<32x125x80xi32, #tpu.memory_space<hbm>>, %arg4: memref<32x125x80xi32, #tpu.memory_space<hbm>>, %arg5: memref<125x64xbf16, #tpu.memory_space<hbm>>, %arg6: memref<2x10000x64xbf16, #tpu.memory_space<hbm>>, %arg7: memref<125x80xi32, #tpu.memory_space<vmem>>, %arg8: memref<125x80xi32, #tpu.memory_space<vmem>>, %arg9: memref<5x80x64xbf16, #tpu.memory_space<vmem>>, %arg10: memref<10000x64xbf16, #tpu.memory_space<vmem_shared>>, %arg11: memref<5x!tpu.dma_semaphore, #tpu.memory_space<semaphore_mem>>, %arg12: memref<5x!tpu.dma_semaphore, #tpu.memory_space<semaphore_mem>>) attributes {dimension_semantics = [#tpu.dimension_semantics<core_parallel>, #tpu.dimension_semantics<subcore_parallel>], iteration_bounds = array<i64: 2, 16>, scalar_prefetch = 0 : i64, scratch_operands = 6 : i64, tpu.core_type = #tpu.core_type<sc_vector_subcore>, window_params = [{transform_indices = #map}, {transform_indices = #map1}, {transform_indices = #map1}, {transform_indices = #map}, {transform_indices = #map1}]} {
    %mul3A = arith.constant 2 : i32
    %mul3A_0 = arith.muli %arg1, %mul3A : i32
    %add3A = arith.addi %mul3A_0, %arg0 : i32
    "tpu.region"() ({
      %run_scoped3A = tpu.sem_alloc : memref<!tpu.dma_semaphore, #tpu.memory_space<semaphore_mem>>
      %dma_start3A = arith.constant 0 : i32
      %dma_start3A_31 = arith.constant 0 : i32
      %dma_start3A_32 = tpu.memref_slice %arg3[%add3A, %dma_start3A, %dma_start3A_31] : memref<32x125x80xi32, #tpu.memory_space<hbm>> -> memref<1x125x80xi32, #tpu.memory_space<hbm>>
      %dma_start3A_33 = tpu.memref_squeeze %dma_start3A_32 : memref<1x125x80xi32, #tpu.memory_space<hbm>> -> memref<125x80xi32, #tpu.memory_space<hbm>>
      %dma_start3A_34 = arith.constant 0 : i32
      %dma_start3A_35 = arith.constant 0 : i32
      %dma_start3A_36 = tpu.memref_slice %arg3[%add3A, %dma_start3A_34, %dma_start3A_35] : memref<32x125x80xi32, #tpu.memory_space<hbm>> -> memref<1x125x80xi32, #tpu.memory_space<hbm>>
      %dma_start3A_37 = tpu.memref_squeeze %dma_start3A_36 : memref<1x125x80xi32, #tpu.memory_space<hbm>> -> memref<125x80xi32, #tpu.memory_space<hbm>>
      tpu.enqueue_dma source(%dma_start3A_37 : memref<125x80xi32, #tpu.memory_space<hbm>>) target(%arg7 : memref<125x80xi32, #tpu.memory_space<vmem>>) target_semaphore(%run_scoped3A : memref<!tpu.dma_semaphore, #tpu.memory_space<semaphore_mem>>)
      %dma_wait3A = arith.constant 0 : i32
      %dma_wait3A_38 = arith.constant 0 : i32
      %dma_wait3A_39 = tpu.memref_slice %arg3[%add3A, %dma_wait3A, %dma_wait3A_38] : memref<32x125x80xi32, #tpu.memory_space<hbm>> -> memref<1x125x80xi32, #tpu.memory_space<hbm>>
      %dma_wait3A_40 = tpu.memref_squeeze %dma_wait3A_39 : memref<1x125x80xi32, #tpu.memory_space<hbm>> -> memref<125x80xi32, #tpu.memory_space<hbm>>
      %dma_wait3A_41 = arith.constant 0 : i32
      %dma_wait3A_42 = arith.constant 0 : i32
      %dma_wait3A_43 = tpu.memref_slice %arg3[%add3A, %dma_wait3A_41, %dma_wait3A_42] : memref<32x125x80xi32, #tpu.memory_space<hbm>> -> memref<1x125x80xi32, #tpu.memory_space<hbm>>
      %dma_wait3A_44 = tpu.memref_squeeze %dma_wait3A_43 : memref<1x125x80xi32, #tpu.memory_space<hbm>> -> memref<125x80xi32, #tpu.memory_space<hbm>>
      tpu.wait_dma2 semaphore(%run_scoped3A : memref<!tpu.dma_semaphore, #tpu.memory_space<semaphore_mem>>) src(%dma_wait3A_44 : memref<125x80xi32, #tpu.memory_space<hbm>>) dst(%arg7 : memref<125x80xi32, #tpu.memory_space<vmem>>)
      tpu.yield
    }) : () -> ()
    "tpu.region"() ({
      %run_scoped3A = tpu.sem_alloc : memref<!tpu.dma_semaphore, #tpu.memory_space<semaphore_mem>>
      %dma_start3A = arith.constant 0 : i32
      %dma_start3A_31 = arith.constant 0 : i32
      %dma_start3A_32 = tpu.memref_slice %arg4[%add3A, %dma_start3A, %dma_start3A_31] : memref<32x125x80xi32, #tpu.memory_space<hbm>> -> memref<1x125x80xi32, #tpu.memory_space<hbm>>
      %dma_start3A_33 = tpu.memref_squeeze %dma_start3A_32 : memref<1x125x80xi32, #tpu.memory_space<hbm>> -> memref<125x80xi32, #tpu.memory_space<hbm>>
      %dma_start3A_34 = arith.constant 0 : i32
      %dma_start3A_35 = arith.constant 0 : i32
      %dma_start3A_36 = tpu.memref_slice %arg4[%add3A, %dma_start3A_34, %dma_start3A_35] : memref<32x125x80xi32, #tpu.memory_space<hbm>> -> memref<1x125x80xi32, #tpu.memory_space<hbm>>
      %dma_start3A_37 = tpu.memref_squeeze %dma_start3A_36 : memref<1x125x80xi32, #tpu.memory_space<hbm>> -> memref<125x80xi32, #tpu.memory_space<hbm>>
      tpu.enqueue_dma source(%dma_start3A_37 : memref<125x80xi32, #tpu.memory_space<hbm>>) target(%arg8 : memref<125x80xi32, #tpu.memory_space<vmem>>) target_semaphore(%run_scoped3A : memref<!tpu.dma_semaphore, #tpu.memory_space<semaphore_mem>>)
      %dma_wait3A = arith.constant 0 : i32
      %dma_wait3A_38 = arith.constant 0 : i32
      %dma_wait3A_39 = tpu.memref_slice %arg4[%add3A, %dma_wait3A, %dma_wait3A_38] : memref<32x125x80xi32, #tpu.memory_space<hbm>> -> memref<1x125x80xi32, #tpu.memory_space<hbm>>
      %dma_wait3A_40 = tpu.memref_squeeze %dma_wait3A_39 : memref<1x125x80xi32, #tpu.memory_space<hbm>> -> memref<125x80xi32, #tpu.memory_space<hbm>>
      %dma_wait3A_41 = arith.constant 0 : i32
      %dma_wait3A_42 = arith.constant 0 : i32
      %dma_wait3A_43 = tpu.memref_slice %arg4[%add3A, %dma_wait3A_41, %dma_wait3A_42] : memref<32x125x80xi32, #tpu.memory_space<hbm>> -> memref<1x125x80xi32, #tpu.memory_space<hbm>>
      %dma_wait3A_44 = tpu.memref_squeeze %dma_wait3A_43 : memref<1x125x80xi32, #tpu.memory_space<hbm>> -> memref<125x80xi32, #tpu.memory_space<hbm>>
      tpu.wait_dma2 semaphore(%run_scoped3A : memref<!tpu.dma_semaphore, #tpu.memory_space<semaphore_mem>>) src(%dma_wait3A_44 : memref<125x80xi32, #tpu.memory_space<hbm>>) dst(%arg8 : memref<125x80xi32, #tpu.memory_space<vmem>>)
      tpu.yield
    }) : () -> ()
    %mul3A_1 = arith.constant 625 : i32
    %mul3A_2 = arith.muli %arg1, %mul3A_1 : i32
    %add3A_3 = arith.constant 0 : i32
    %add3A_4 = arith.addi %mul3A_2, %add3A_3 : i32
    "tpu.region"() ({
      %run_scoped3A = tpu.sem_alloc : memref<!tpu.dma_semaphore, #tpu.memory_space<semaphore_mem>>
      %dma_start3A = arith.constant 0 : i32
      %dma_start3A_31 = tpu.memref_slice %arg10[%add3A_4, %dma_start3A] : memref<10000x64xbf16, #tpu.memory_space<vmem_shared>> -> memref<125x64xbf16, #tpu.memory_space<vmem_shared>>
      tpu.enqueue_dma source(%arg5 : memref<125x64xbf16, #tpu.memory_space<hbm>>) target(%dma_start3A_31 : memref<125x64xbf16, #tpu.memory_space<vmem_shared>>) target_semaphore(%run_scoped3A : memref<!tpu.dma_semaphore, #tpu.memory_space<semaphore_mem>>)
      %dma_wait3A = arith.constant 0 : i32
      %dma_wait3A_32 = tpu.memref_slice %arg10[%add3A_4, %dma_wait3A] : memref<10000x64xbf16, #tpu.memory_space<vmem_shared>> -> memref<125x64xbf16, #tpu.memory_space<vmem_shared>>
      tpu.wait_dma2 semaphore(%run_scoped3A : memref<!tpu.dma_semaphore, #tpu.memory_space<semaphore_mem>>) src(%arg5 : memref<125x64xbf16, #tpu.memory_space<hbm>>) dst(%dma_wait3A_32 : memref<125x64xbf16, #tpu.memory_space<vmem_shared>>)
      tpu.yield
    }) : () -> ()
    %mul3A_5 = arith.constant 625 : i32
    %mul3A_6 = arith.muli %arg1, %mul3A_5 : i32
    %add3A_7 = arith.constant 125 : i32
    %add3A_8 = arith.addi %mul3A_6, %add3A_7 : i32
    "tpu.region"() ({
      %run_scoped3A = tpu.sem_alloc : memref<!tpu.dma_semaphore, #tpu.memory_space<semaphore_mem>>
      %dma_start3A = arith.constant 0 : i32
      %dma_start3A_31 = tpu.memref_slice %arg10[%add3A_8, %dma_start3A] : memref<10000x64xbf16, #tpu.memory_space<vmem_shared>> -> memref<125x64xbf16, #tpu.memory_space<vmem_shared>>
      tpu.enqueue_dma source(%arg5 : memref<125x64xbf16, #tpu.memory_space<hbm>>) target(%dma_start3A_31 : memref<125x64xbf16, #tpu.memory_space<vmem_shared>>) target_semaphore(%run_scoped3A : memref<!tpu.dma_semaphore, #tpu.memory_space<semaphore_mem>>)
      %dma_wait3A = arith.constant 0 : i32
      %dma_wait3A_32 = tpu.memref_slice %arg10[%add3A_8, %dma_wait3A] : memref<10000x64xbf16, #tpu.memory_space<vmem_shared>> -> memref<125x64xbf16, #tpu.memory_space<vmem_shared>>
      tpu.wait_dma2 semaphore(%run_scoped3A : memref<!tpu.dma_semaphore, #tpu.memory_space<semaphore_mem>>) src(%arg5 : memref<125x64xbf16, #tpu.memory_space<hbm>>) dst(%dma_wait3A_32 : memref<125x64xbf16, #tpu.memory_space<vmem_shared>>)
      tpu.yield
    }) : () -> ()
    %mul3A_9 = arith.constant 625 : i32
    %mul3A_10 = arith.muli %arg1, %mul3A_9 : i32
    %add3A_11 = arith.constant 250 : i32
    %add3A_12 = arith.addi %mul3A_10, %add3A_11 : i32
    "tpu.region"() ({
      %run_scoped3A = tpu.sem_alloc : memref<!tpu.dma_semaphore, #tpu.memory_space<semaphore_mem>>
      %dma_start3A = arith.constant 0 : i32
      %dma_start3A_31 = tpu.memref_slice %arg10[%add3A_12, %dma_start3A] : memref<10000x64xbf16, #tpu.memory_space<vmem_shared>> -> memref<125x64xbf16, #tpu.memory_space<vmem_shared>>
      tpu.enqueue_dma source(%arg5 : memref<125x64xbf16, #tpu.memory_space<hbm>>) target(%dma_start3A_31 : memref<125x64xbf16, #tpu.memory_space<vmem_shared>>) target_semaphore(%run_scoped3A : memref<!tpu.dma_semaphore, #tpu.memory_space<semaphore_mem>>)
      %dma_wait3A = arith.constant 0 : i32
      %dma_wait3A_32 = tpu.memref_slice %arg10[%add3A_12, %dma_wait3A] : memref<10000x64xbf16, #tpu.memory_space<vmem_shared>> -> memref<125x64xbf16, #tpu.memory_space<vmem_shared>>
      tpu.wait_dma2 semaphore(%run_scoped3A : memref<!tpu.dma_semaphore, #tpu.memory_space<semaphore_mem>>) src(%arg5 : memref<125x64xbf16, #tpu.memory_space<hbm>>) dst(%dma_wait3A_32 : memref<125x64xbf16, #tpu.memory_space<vmem_shared>>)
      tpu.yield
    }) : () -> ()
    %mul3A_13 = arith.constant 625 : i32
    %mul3A_14 = arith.muli %arg1, %mul3A_13 : i32
    %add3A_15 = arith.constant 375 : i32
    %add3A_16 = arith.addi %mul3A_14, %add3A_15 : i32
    "tpu.region"() ({
      %run_scoped3A = tpu.sem_alloc : memref<!tpu.dma_semaphore, #tpu.memory_space<semaphore_mem>>
      %dma_start3A = arith.constant 0 : i32
      %dma_start3A_31 = tpu.memref_slice %arg10[%add3A_16, %dma_start3A] : memref<10000x64xbf16, #tpu.memory_space<vmem_shared>> -> memref<125x64xbf16, #tpu.memory_space<vmem_shared>>
      tpu.enqueue_dma source(%arg5 : memref<125x64xbf16, #tpu.memory_space<hbm>>) target(%dma_start3A_31 : memref<125x64xbf16, #tpu.memory_space<vmem_shared>>) target_semaphore(%run_scoped3A : memref<!tpu.dma_semaphore, #tpu.memory_space<semaphore_mem>>)
      %dma_wait3A = arith.constant 0 : i32
      %dma_wait3A_32 = tpu.memref_slice %arg10[%add3A_16, %dma_wait3A] : memref<10000x64xbf16, #tpu.memory_space<vmem_shared>> -> memref<125x64xbf16, #tpu.memory_space<vmem_shared>>
      tpu.wait_dma2 semaphore(%run_scoped3A : memref<!tpu.dma_semaphore, #tpu.memory_space<semaphore_mem>>) src(%arg5 : memref<125x64xbf16, #tpu.memory_space<hbm>>) dst(%dma_wait3A_32 : memref<125x64xbf16, #tpu.memory_space<vmem_shared>>)
      tpu.yield
    }) : () -> ()
    %mul3A_17 = arith.constant 625 : i32
    %mul3A_18 = arith.muli %arg1, %mul3A_17 : i32
    %add3A_19 = arith.constant 500 : i32
    %add3A_20 = arith.addi %mul3A_18, %add3A_19 : i32
    "tpu.region"() ({
      %run_scoped3A = tpu.sem_alloc : memref<!tpu.dma_semaphore, #tpu.memory_space<semaphore_mem>>
      %dma_start3A = arith.constant 0 : i32
      %dma_start3A_31 = tpu.memref_slice %arg10[%add3A_20, %dma_start3A] : memref<10000x64xbf16, #tpu.memory_space<vmem_shared>> -> memref<125x64xbf16, #tpu.memory_space<vmem_shared>>
      tpu.enqueue_dma source(%arg5 : memref<125x64xbf16, #tpu.memory_space<hbm>>) target(%dma_start3A_31 : memref<125x64xbf16, #tpu.memory_space<vmem_shared>>) target_semaphore(%run_scoped3A : memref<!tpu.dma_semaphore, #tpu.memory_space<semaphore_mem>>)
      %dma_wait3A = arith.constant 0 : i32
      %dma_wait3A_32 = tpu.memref_slice %arg10[%add3A_20, %dma_wait3A] : memref<10000x64xbf16, #tpu.memory_space<vmem_shared>> -> memref<125x64xbf16, #tpu.memory_space<vmem_shared>>
      tpu.wait_dma2 semaphore(%run_scoped3A : memref<!tpu.dma_semaphore, #tpu.memory_space<semaphore_mem>>) src(%arg5 : memref<125x64xbf16, #tpu.memory_space<hbm>>) dst(%dma_wait3A_32 : memref<125x64xbf16, #tpu.memory_space<vmem_shared>>)
      tpu.yield
    }) : () -> ()
    %barrier3A = arith.constant 0 : index
    tpu.barrier barrier_id(%barrier3A)
    %scan3A = arith.constant 0 : i32
    %scan3A_21 = arith.constant 0 : i32
    %scan3A_22 = arith.constant 25 : i32
    %scan3A_23 = arith.addi %scan3A_21, %scan3A_22 : i32
    %scan3A_24 = arith.constant 1 : i32
    scf.for %scan3A_31 = %scan3A_21 to %scan3A_23 step %scan3A_24  : i32 {
      %mul3A_32 = arith.constant 5 : i32
      %mul3A_33 = arith.muli %scan3A_31, %mul3A_32 : i32
      %add3A_34 = arith.constant 0 : i32
      %add3A_35 = arith.addi %mul3A_33, %add3A_34 : i32
      %dma_start3A = arith.constant 0 : i32
      %dma_start3A_36 = arith.constant 0 : i32
      %dma_start3A_37 = arith.constant 0 : i32
      %dma_start3A_38 = arith.constant 0 : i32
      %dma_start3A_39 = tpu.memref_slice %arg9[%dma_start3A, %dma_start3A_37, %dma_start3A_38] : memref<5x80x64xbf16, #tpu.memory_space<vmem>> -> memref<1x80x64xbf16, #tpu.memory_space<vmem>>
      %dma_start3A_40 = tpu.memref_squeeze %dma_start3A_39 : memref<1x80x64xbf16, #tpu.memory_space<vmem>> -> memref<80x64xbf16, #tpu.memory_space<vmem>>
      %dma_start3A_41 = arith.constant 0 : i32
      %dma_start3A_42 = tpu.memref_slice %arg7[%add3A_35, %dma_start3A_41] : memref<125x80xi32, #tpu.memory_space<vmem>> -> memref<1x80xi32, #tpu.memory_space<vmem>>
      %dma_start3A_43 = tpu.memref_squeeze %dma_start3A_42 : memref<1x80xi32, #tpu.memory_space<vmem>> -> memref<80xi32, #tpu.memory_space<vmem>>
      %dma_start3A_44 = arith.constant 0 : i32
      %dma_start3A_45 = arith.constant 0 : i32
      %dma_start3A_46 = tpu.memref_slice %arg2[%dma_start3A_44, %dma_start3A_45] : memref<10000x64xbf16, #tpu.memory_space<hbm>> -> memref<10000x64xbf16, #tpu.memory_space<hbm>>
      %dma_start3A_47 = tpu.memref_slice %arg11[%dma_start3A_36] : memref<5x!tpu.dma_semaphore, #tpu.memory_space<semaphore_mem>> -> memref<1x!tpu.dma_semaphore, #tpu.memory_space<semaphore_mem>>
      %dma_start3A_48 = tpu.memref_squeeze %dma_start3A_47 : memref<1x!tpu.dma_semaphore, #tpu.memory_space<semaphore_mem>> -> memref<!tpu.dma_semaphore, #tpu.memory_space<semaphore_mem>>
      tpu.enqueue_indirect_dma source(%dma_start3A_46 : memref<10000x64xbf16, #tpu.memory_space<hbm>>) target(%dma_start3A_40 : memref<80x64xbf16, #tpu.memory_space<vmem>>) offsets(%dma_start3A_43 : memref<80xi32, #tpu.memory_space<vmem>>) semaphore(%dma_start3A_48 : memref<!tpu.dma_semaphore, #tpu.memory_space<semaphore_mem>>)
      %add3A_49 = arith.constant 1 : i32
      %add3A_50 = arith.addi %mul3A_33, %add3A_49 : i32
      %dma_start3A_51 = arith.constant 1 : i32
      %dma_start3A_52 = arith.constant 1 : i32
      %dma_start3A_53 = arith.constant 0 : i32
      %dma_start3A_54 = arith.constant 0 : i32
      %dma_start3A_55 = tpu.memref_slice %arg9[%dma_start3A_51, %dma_start3A_53, %dma_start3A_54] : memref<5x80x64xbf16, #tpu.memory_space<vmem>> -> memref<1x80x64xbf16, #tpu.memory_space<vmem>>
      %dma_start3A_56 = tpu.memref_squeeze %dma_start3A_55 : memref<1x80x64xbf16, #tpu.memory_space<vmem>> -> memref<80x64xbf16, #tpu.memory_space<vmem>>
      %dma_start3A_57 = arith.constant 0 : i32
      %dma_start3A_58 = tpu.memref_slice %arg7[%add3A_50, %dma_start3A_57] : memref<125x80xi32, #tpu.memory_space<vmem>> -> memref<1x80xi32, #tpu.memory_space<vmem>>
      %dma_start3A_59 = tpu.memref_squeeze %dma_start3A_58 : memref<1x80xi32, #tpu.memory_space<vmem>> -> memref<80xi32, #tpu.memory_space<vmem>>
      %dma_start3A_60 = arith.constant 0 : i32
      %dma_start3A_61 = arith.constant 0 : i32
      %dma_start3A_62 = tpu.memref_slice %arg2[%dma_start3A_60, %dma_start3A_61] : memref<10000x64xbf16, #tpu.memory_space<hbm>> -> memref<10000x64xbf16, #tpu.memory_space<hbm>>
      %dma_start3A_63 = tpu.memref_slice %arg11[%dma_start3A_52] : memref<5x!tpu.dma_semaphore, #tpu.memory_space<semaphore_mem>> -> memref<1x!tpu.dma_semaphore, #tpu.memory_space<semaphore_mem>>
      %dma_start3A_64 = tpu.memref_squeeze %dma_start3A_63 : memref<1x!tpu.dma_semaphore, #tpu.memory_space<semaphore_mem>> -> memref<!tpu.dma_semaphore, #tpu.memory_space<semaphore_mem>>
      tpu.enqueue_indirect_dma source(%dma_start3A_62 : memref<10000x64xbf16, #tpu.memory_space<hbm>>) target(%dma_start3A_56 : memref<80x64xbf16, #tpu.memory_space<vmem>>) offsets(%dma_start3A_59 : memref<80xi32, #tpu.memory_space<vmem>>) semaphore(%dma_start3A_64 : memref<!tpu.dma_semaphore, #tpu.memory_space<semaphore_mem>>)
      %add3A_65 = arith.constant 2 : i32
      %add3A_66 = arith.addi %mul3A_33, %add3A_65 : i32
      %dma_start3A_67 = arith.constant 2 : i32
      %dma_start3A_68 = arith.constant 2 : i32
      %dma_start3A_69 = arith.constant 0 : i32
      %dma_start3A_70 = arith.constant 0 : i32
      %dma_start3A_71 = tpu.memref_slice %arg9[%dma_start3A_67, %dma_start3A_69, %dma_start3A_70] : memref<5x80x64xbf16, #tpu.memory_space<vmem>> -> memref<1x80x64xbf16, #tpu.memory_space<vmem>>
      %dma_start3A_72 = tpu.memref_squeeze %dma_start3A_71 : memref<1x80x64xbf16, #tpu.memory_space<vmem>> -> memref<80x64xbf16, #tpu.memory_space<vmem>>
      %dma_start3A_73 = arith.constant 0 : i32
      %dma_start3A_74 = tpu.memref_slice %arg7[%add3A_66, %dma_start3A_73] : memref<125x80xi32, #tpu.memory_space<vmem>> -> memref<1x80xi32, #tpu.memory_space<vmem>>
      %dma_start3A_75 = tpu.memref_squeeze %dma_start3A_74 : memref<1x80xi32, #tpu.memory_space<vmem>> -> memref<80xi32, #tpu.memory_space<vmem>>
      %dma_start3A_76 = arith.constant 0 : i32
      %dma_start3A_77 = arith.constant 0 : i32
      %dma_start3A_78 = tpu.memref_slice %arg2[%dma_start3A_76, %dma_start3A_77] : memref<10000x64xbf16, #tpu.memory_space<hbm>> -> memref<10000x64xbf16, #tpu.memory_space<hbm>>
      %dma_start3A_79 = tpu.memref_slice %arg11[%dma_start3A_68] : memref<5x!tpu.dma_semaphore, #tpu.memory_space<semaphore_mem>> -> memref<1x!tpu.dma_semaphore, #tpu.memory_space<semaphore_mem>>
      %dma_start3A_80 = tpu.memref_squeeze %dma_start3A_79 : memref<1x!tpu.dma_semaphore, #tpu.memory_space<semaphore_mem>> -> memref<!tpu.dma_semaphore, #tpu.memory_space<semaphore_mem>>
      tpu.enqueue_indirect_dma source(%dma_start3A_78 : memref<10000x64xbf16, #tpu.memory_space<hbm>>) target(%dma_start3A_72 : memref<80x64xbf16, #tpu.memory_space<vmem>>) offsets(%dma_start3A_75 : memref<80xi32, #tpu.memory_space<vmem>>) semaphore(%dma_start3A_80 : memref<!tpu.dma_semaphore, #tpu.memory_space<semaphore_mem>>)
      %add3A_81 = arith.constant 3 : i32
      %add3A_82 = arith.addi %mul3A_33, %add3A_81 : i32
      %dma_start3A_83 = arith.constant 3 : i32
      %dma_start3A_84 = arith.constant 3 : i32
      %dma_start3A_85 = arith.constant 0 : i32
      %dma_start3A_86 = arith.constant 0 : i32
      %dma_start3A_87 = tpu.memref_slice %arg9[%dma_start3A_83, %dma_start3A_85, %dma_start3A_86] : memref<5x80x64xbf16, #tpu.memory_space<vmem>> -> memref<1x80x64xbf16, #tpu.memory_space<vmem>>
      %dma_start3A_88 = tpu.memref_squeeze %dma_start3A_87 : memref<1x80x64xbf16, #tpu.memory_space<vmem>> -> memref<80x64xbf16, #tpu.memory_space<vmem>>
      %dma_start3A_89 = arith.constant 0 : i32
      %dma_start3A_90 = tpu.memref_slice %arg7[%add3A_82, %dma_start3A_89] : memref<125x80xi32, #tpu.memory_space<vmem>> -> memref<1x80xi32, #tpu.memory_space<vmem>>
      %dma_start3A_91 = tpu.memref_squeeze %dma_start3A_90 : memref<1x80xi32, #tpu.memory_space<vmem>> -> memref<80xi32, #tpu.memory_space<vmem>>
      %dma_start3A_92 = arith.constant 0 : i32
      %dma_start3A_93 = arith.constant 0 : i32
      %dma_start3A_94 = tpu.memref_slice %arg2[%dma_start3A_92, %dma_start3A_93] : memref<10000x64xbf16, #tpu.memory_space<hbm>> -> memref<10000x64xbf16, #tpu.memory_space<hbm>>
      %dma_start3A_95 = tpu.memref_slice %arg11[%dma_start3A_84] : memref<5x!tpu.dma_semaphore, #tpu.memory_space<semaphore_mem>> -> memref<1x!tpu.dma_semaphore, #tpu.memory_space<semaphore_mem>>
      %dma_start3A_96 = tpu.memref_squeeze %dma_start3A_95 : memref<1x!tpu.dma_semaphore, #tpu.memory_space<semaphore_mem>> -> memref<!tpu.dma_semaphore, #tpu.memory_space<semaphore_mem>>
      tpu.enqueue_indirect_dma source(%dma_start3A_94 : memref<10000x64xbf16, #tpu.memory_space<hbm>>) target(%dma_start3A_88 : memref<80x64xbf16, #tpu.memory_space<vmem>>) offsets(%dma_start3A_91 : memref<80xi32, #tpu.memory_space<vmem>>) semaphore(%dma_start3A_96 : memref<!tpu.dma_semaphore, #tpu.memory_space<semaphore_mem>>)
      %add3A_97 = arith.constant 4 : i32
      %add3A_98 = arith.addi %mul3A_33, %add3A_97 : i32
      %dma_start3A_99 = arith.constant 4 : i32
      %dma_start3A_100 = arith.constant 4 : i32
      %dma_start3A_101 = arith.constant 0 : i32
      %dma_start3A_102 = arith.constant 0 : i32
      %dma_start3A_103 = tpu.memref_slice %arg9[%dma_start3A_99, %dma_start3A_101, %dma_start3A_102] : memref<5x80x64xbf16, #tpu.memory_space<vmem>> -> memref<1x80x64xbf16, #tpu.memory_space<vmem>>
      %dma_start3A_104 = tpu.memref_squeeze %dma_start3A_103 : memref<1x80x64xbf16, #tpu.memory_space<vmem>> -> memref<80x64xbf16, #tpu.memory_space<vmem>>
      %dma_start3A_105 = arith.constant 0 : i32
      %dma_start3A_106 = tpu.memref_slice %arg7[%add3A_98, %dma_start3A_105] : memref<125x80xi32, #tpu.memory_space<vmem>> -> memref<1x80xi32, #tpu.memory_space<vmem>>
      %dma_start3A_107 = tpu.memref_squeeze %dma_start3A_106 : memref<1x80xi32, #tpu.memory_space<vmem>> -> memref<80xi32, #tpu.memory_space<vmem>>
      %dma_start3A_108 = arith.constant 0 : i32
      %dma_start3A_109 = arith.constant 0 : i32
      %dma_start3A_110 = tpu.memref_slice %arg2[%dma_start3A_108, %dma_start3A_109] : memref<10000x64xbf16, #tpu.memory_space<hbm>> -> memref<10000x64xbf16, #tpu.memory_space<hbm>>
      %dma_start3A_111 = tpu.memref_slice %arg11[%dma_start3A_100] : memref<5x!tpu.dma_semaphore, #tpu.memory_space<semaphore_mem>> -> memref<1x!tpu.dma_semaphore, #tpu.memory_space<semaphore_mem>>
      %dma_start3A_112 = tpu.memref_squeeze %dma_start3A_111 : memref<1x!tpu.dma_semaphore, #tpu.memory_space<semaphore_mem>> -> memref<!tpu.dma_semaphore, #tpu.memory_space<semaphore_mem>>
      tpu.enqueue_indirect_dma source(%dma_start3A_110 : memref<10000x64xbf16, #tpu.memory_space<hbm>>) target(%dma_start3A_104 : memref<80x64xbf16, #tpu.memory_space<vmem>>) offsets(%dma_start3A_107 : memref<80xi32, #tpu.memory_space<vmem>>) semaphore(%dma_start3A_112 : memref<!tpu.dma_semaphore, #tpu.memory_space<semaphore_mem>>)
      %dma_wait3A = arith.constant 0 : i32
      %dma_wait3A_113 = arith.constant 0 : i32
      %dma_wait3A_114 = arith.constant 0 : i32
      %dma_wait3A_115 = arith.constant 0 : i32
      %dma_wait3A_116 = tpu.memref_slice %arg9[%dma_wait3A, %dma_wait3A_114, %dma_wait3A_115] : memref<5x80x64xbf16, #tpu.memory_space<vmem>> -> memref<1x80x64xbf16, #tpu.memory_space<vmem>>
      %dma_wait3A_117 = tpu.memref_squeeze %dma_wait3A_116 : memref<1x80x64xbf16, #tpu.memory_space<vmem>> -> memref<80x64xbf16, #tpu.memory_space<vmem>>
      %dma_wait3A_118 = arith.constant 0 : i32
      %dma_wait3A_119 = tpu.memref_slice %arg7[%add3A_35, %dma_wait3A_118] : memref<125x80xi32, #tpu.memory_space<vmem>> -> memref<1x80xi32, #tpu.memory_space<vmem>>
      %dma_wait3A_120 = tpu.memref_squeeze %dma_wait3A_119 : memref<1x80xi32, #tpu.memory_space<vmem>> -> memref<80xi32, #tpu.memory_space<vmem>>
      %dma_wait3A_121 = arith.constant 0 : i32
      %dma_wait3A_122 = arith.constant 0 : i32
      %dma_wait3A_123 = tpu.memref_slice %arg2[%dma_wait3A_121, %dma_wait3A_122] : memref<10000x64xbf16, #tpu.memory_space<hbm>> -> memref<10000x64xbf16, #tpu.memory_space<hbm>>
      %dma_wait3A_124 = tpu.memref_slice %arg11[%dma_wait3A_113] : memref<5x!tpu.dma_semaphore, #tpu.memory_space<semaphore_mem>> -> memref<1x!tpu.dma_semaphore, #tpu.memory_space<semaphore_mem>>
      %dma_wait3A_125 = tpu.memref_squeeze %dma_wait3A_124 : memref<1x!tpu.dma_semaphore, #tpu.memory_space<semaphore_mem>> -> memref<!tpu.dma_semaphore, #tpu.memory_space<semaphore_mem>>
      tpu.wait_indirect_dma semaphore(%dma_wait3A_125 : memref<!tpu.dma_semaphore, #tpu.memory_space<semaphore_mem>>) src(%dma_wait3A_123 : memref<10000x64xbf16, #tpu.memory_space<hbm>>) dst(%dma_wait3A_117 : memref<80x64xbf16, #tpu.memory_space<vmem>>)
      %add3A_126 = arith.constant 0 : i32
      %add3A_127 = arith.addi %mul3A_33, %add3A_126 : i32
      %dma_start3A_128 = arith.constant 0 : i32
      %dma_start3A_129 = arith.constant 0 : i32
      %dma_start3A_130 = arith.constant 0 : i32
      %dma_start3A_131 = arith.constant 0 : i32
      %dma_start3A_132 = tpu.memref_slice %arg9[%dma_start3A_128, %dma_start3A_130, %dma_start3A_131] : memref<5x80x64xbf16, #tpu.memory_space<vmem>> -> memref<1x80x64xbf16, #tpu.memory_space<vmem>>
      %dma_start3A_133 = tpu.memref_squeeze %dma_start3A_132 : memref<1x80x64xbf16, #tpu.memory_space<vmem>> -> memref<80x64xbf16, #tpu.memory_space<vmem>>
      %dma_start3A_134 = arith.constant 0 : i32
      %dma_start3A_135 = tpu.memref_slice %arg8[%add3A_127, %dma_start3A_134] : memref<125x80xi32, #tpu.memory_space<vmem>> -> memref<1x80xi32, #tpu.memory_space<vmem>>
      %dma_start3A_136 = tpu.memref_squeeze %dma_start3A_135 : memref<1x80xi32, #tpu.memory_space<vmem>> -> memref<80xi32, #tpu.memory_space<vmem>>
      %dma_start3A_137 = arith.constant 0 : i32
      %dma_start3A_138 = arith.constant 0 : i32
      %dma_start3A_139 = tpu.memref_slice %arg10[%dma_start3A_137, %dma_start3A_138] : memref<10000x64xbf16, #tpu.memory_space<vmem_shared>> -> memref<10000x64xbf16, #tpu.memory_space<vmem_shared>>
      %dma_start3A_140 = tpu.memref_slice %arg12[%dma_start3A_129] : memref<5x!tpu.dma_semaphore, #tpu.memory_space<semaphore_mem>> -> memref<1x!tpu.dma_semaphore, #tpu.memory_space<semaphore_mem>>
      %dma_start3A_141 = tpu.memref_squeeze %dma_start3A_140 : memref<1x!tpu.dma_semaphore, #tpu.memory_space<semaphore_mem>> -> memref<!tpu.dma_semaphore, #tpu.memory_space<semaphore_mem>>
      tpu.enqueue_indirect_dma source(%dma_start3A_133 : memref<80x64xbf16, #tpu.memory_space<vmem>>) target(%dma_start3A_139 : memref<10000x64xbf16, #tpu.memory_space<vmem_shared>>) offsets(%dma_start3A_136 : memref<80xi32, #tpu.memory_space<vmem>>) semaphore(%dma_start3A_141 : memref<!tpu.dma_semaphore, #tpu.memory_space<semaphore_mem>>) {add = true}
      %dma_wait3A_142 = arith.constant 1 : i32
      %dma_wait3A_143 = arith.constant 1 : i32
      %dma_wait3A_144 = arith.constant 0 : i32
      %dma_wait3A_145 = arith.constant 0 : i32
      %dma_wait3A_146 = tpu.memref_slice %arg9[%dma_wait3A_142, %dma_wait3A_144, %dma_wait3A_145] : memref<5x80x64xbf16, #tpu.memory_space<vmem>> -> memref<1x80x64xbf16, #tpu.memory_space<vmem>>
      %dma_wait3A_147 = tpu.memref_squeeze %dma_wait3A_146 : memref<1x80x64xbf16, #tpu.memory_space<vmem>> -> memref<80x64xbf16, #tpu.memory_space<vmem>>
      %dma_wait3A_148 = arith.constant 0 : i32
      %dma_wait3A_149 = tpu.memref_slice %arg7[%add3A_50, %dma_wait3A_148] : memref<125x80xi32, #tpu.memory_space<vmem>> -> memref<1x80xi32, #tpu.memory_space<vmem>>
      %dma_wait3A_150 = tpu.memref_squeeze %dma_wait3A_149 : memref<1x80xi32, #tpu.memory_space<vmem>> -> memref<80xi32, #tpu.memory_space<vmem>>
      %dma_wait3A_151 = arith.constant 0 : i32
      %dma_wait3A_152 = arith.constant 0 : i32
      %dma_wait3A_153 = tpu.memref_slice %arg2[%dma_wait3A_151, %dma_wait3A_152] : memref<10000x64xbf16, #tpu.memory_space<hbm>> -> memref<10000x64xbf16, #tpu.memory_space<hbm>>
      %dma_wait3A_154 = tpu.memref_slice %arg11[%dma_wait3A_143] : memref<5x!tpu.dma_semaphore, #tpu.memory_space<semaphore_mem>> -> memref<1x!tpu.dma_semaphore, #tpu.memory_space<semaphore_mem>>
      %dma_wait3A_155 = tpu.memref_squeeze %dma_wait3A_154 : memref<1x!tpu.dma_semaphore, #tpu.memory_space<semaphore_mem>> -> memref<!tpu.dma_semaphore, #tpu.memory_space<semaphore_mem>>
      tpu.wait_indirect_dma semaphore(%dma_wait3A_155 : memref<!tpu.dma_semaphore, #tpu.memory_space<semaphore_mem>>) src(%dma_wait3A_153 : memref<10000x64xbf16, #tpu.memory_space<hbm>>) dst(%dma_wait3A_147 : memref<80x64xbf16, #tpu.memory_space<vmem>>)
      %add3A_156 = arith.constant 1 : i32
      %add3A_157 = arith.addi %mul3A_33, %add3A_156 : i32
      %dma_start3A_158 = arith.constant 1 : i32
      %dma_start3A_159 = arith.constant 1 : i32
      %dma_start3A_160 = arith.constant 0 : i32
      %dma_start3A_161 = arith.constant 0 : i32
      %dma_start3A_162 = tpu.memref_slice %arg9[%dma_start3A_158, %dma_start3A_160, %dma_start3A_161] : memref<5x80x64xbf16, #tpu.memory_space<vmem>> -> memref<1x80x64xbf16, #tpu.memory_space<vmem>>
      %dma_start3A_163 = tpu.memref_squeeze %dma_start3A_162 : memref<1x80x64xbf16, #tpu.memory_space<vmem>> -> memref<80x64xbf16, #tpu.memory_space<vmem>>
      %dma_start3A_164 = arith.constant 0 : i32
      %dma_start3A_165 = tpu.memref_slice %arg8[%add3A_157, %dma_start3A_164] : memref<125x80xi32, #tpu.memory_space<vmem>> -> memref<1x80xi32, #tpu.memory_space<vmem>>
      %dma_start3A_166 = tpu.memref_squeeze %dma_start3A_165 : memref<1x80xi32, #tpu.memory_space<vmem>> -> memref<80xi32, #tpu.memory_space<vmem>>
      %dma_start3A_167 = arith.constant 0 : i32
      %dma_start3A_168 = arith.constant 0 : i32
      %dma_start3A_169 = tpu.memref_slice %arg10[%dma_start3A_167, %dma_start3A_168] : memref<10000x64xbf16, #tpu.memory_space<vmem_shared>> -> memref<10000x64xbf16, #tpu.memory_space<vmem_shared>>
      %dma_start3A_170 = tpu.memref_slice %arg12[%dma_start3A_159] : memref<5x!tpu.dma_semaphore, #tpu.memory_space<semaphore_mem>> -> memref<1x!tpu.dma_semaphore, #tpu.memory_space<semaphore_mem>>
      %dma_start3A_171 = tpu.memref_squeeze %dma_start3A_170 : memref<1x!tpu.dma_semaphore, #tpu.memory_space<semaphore_mem>> -> memref<!tpu.dma_semaphore, #tpu.memory_space<semaphore_mem>>
      tpu.enqueue_indirect_dma source(%dma_start3A_163 : memref<80x64xbf16, #tpu.memory_space<vmem>>) target(%dma_start3A_169 : memref<10000x64xbf16, #tpu.memory_space<vmem_shared>>) offsets(%dma_start3A_166 : memref<80xi32, #tpu.memory_space<vmem>>) semaphore(%dma_start3A_171 : memref<!tpu.dma_semaphore, #tpu.memory_space<semaphore_mem>>) {add = true}
      %dma_wait3A_172 = arith.constant 2 : i32
      %dma_wait3A_173 = arith.constant 2 : i32
      %dma_wait3A_174 = arith.constant 0 : i32
      %dma_wait3A_175 = arith.constant 0 : i32
      %dma_wait3A_176 = tpu.memref_slice %arg9[%dma_wait3A_172, %dma_wait3A_174, %dma_wait3A_175] : memref<5x80x64xbf16, #tpu.memory_space<vmem>> -> memref<1x80x64xbf16, #tpu.memory_space<vmem>>
      %dma_wait3A_177 = tpu.memref_squeeze %dma_wait3A_176 : memref<1x80x64xbf16, #tpu.memory_space<vmem>> -> memref<80x64xbf16, #tpu.memory_space<vmem>>
      %dma_wait3A_178 = arith.constant 0 : i32
      %dma_wait3A_179 = tpu.memref_slice %arg7[%add3A_66, %dma_wait3A_178] : memref<125x80xi32, #tpu.memory_space<vmem>> -> memref<1x80xi32, #tpu.memory_space<vmem>>
      %dma_wait3A_180 = tpu.memref_squeeze %dma_wait3A_179 : memref<1x80xi32, #tpu.memory_space<vmem>> -> memref<80xi32, #tpu.memory_space<vmem>>
      %dma_wait3A_181 = arith.constant 0 : i32
      %dma_wait3A_182 = arith.constant 0 : i32
      %dma_wait3A_183 = tpu.memref_slice %arg2[%dma_wait3A_181, %dma_wait3A_182] : memref<10000x64xbf16, #tpu.memory_space<hbm>> -> memref<10000x64xbf16, #tpu.memory_space<hbm>>
      %dma_wait3A_184 = tpu.memref_slice %arg11[%dma_wait3A_173] : memref<5x!tpu.dma_semaphore, #tpu.memory_space<semaphore_mem>> -> memref<1x!tpu.dma_semaphore, #tpu.memory_space<semaphore_mem>>
      %dma_wait3A_185 = tpu.memref_squeeze %dma_wait3A_184 : memref<1x!tpu.dma_semaphore, #tpu.memory_space<semaphore_mem>> -> memref<!tpu.dma_semaphore, #tpu.memory_space<semaphore_mem>>
      tpu.wait_indirect_dma semaphore(%dma_wait3A_185 : memref<!tpu.dma_semaphore, #tpu.memory_space<semaphore_mem>>) src(%dma_wait3A_183 : memref<10000x64xbf16, #tpu.memory_space<hbm>>) dst(%dma_wait3A_177 : memref<80x64xbf16, #tpu.memory_space<vmem>>)
      %add3A_186 = arith.constant 2 : i32
      %add3A_187 = arith.addi %mul3A_33, %add3A_186 : i32
      %dma_start3A_188 = arith.constant 2 : i32
      %dma_start3A_189 = arith.constant 2 : i32
      %dma_start3A_190 = arith.constant 0 : i32
      %dma_start3A_191 = arith.constant 0 : i32
      %dma_start3A_192 = tpu.memref_slice %arg9[%dma_start3A_188, %dma_start3A_190, %dma_start3A_191] : memref<5x80x64xbf16, #tpu.memory_space<vmem>> -> memref<1x80x64xbf16, #tpu.memory_space<vmem>>
      %dma_start3A_193 = tpu.memref_squeeze %dma_start3A_192 : memref<1x80x64xbf16, #tpu.memory_space<vmem>> -> memref<80x64xbf16, #tpu.memory_space<vmem>>
      %dma_start3A_194 = arith.constant 0 : i32
      %dma_start3A_195 = tpu.memref_slice %arg8[%add3A_187, %dma_start3A_194] : memref<125x80xi32, #tpu.memory_space<vmem>> -> memref<1x80xi32, #tpu.memory_space<vmem>>
      %dma_start3A_196 = tpu.memref_squeeze %dma_start3A_195 : memref<1x80xi32, #tpu.memory_space<vmem>> -> memref<80xi32, #tpu.memory_space<vmem>>
      %dma_start3A_197 = arith.constant 0 : i32
      %dma_start3A_198 = arith.constant 0 : i32
      %dma_start3A_199 = tpu.memref_slice %arg10[%dma_start3A_197, %dma_start3A_198] : memref<10000x64xbf16, #tpu.memory_space<vmem_shared>> -> memref<10000x64xbf16, #tpu.memory_space<vmem_shared>>
      %dma_start3A_200 = tpu.memref_slice %arg12[%dma_start3A_189] : memref<5x!tpu.dma_semaphore, #tpu.memory_space<semaphore_mem>> -> memref<1x!tpu.dma_semaphore, #tpu.memory_space<semaphore_mem>>
      %dma_start3A_201 = tpu.memref_squeeze %dma_start3A_200 : memref<1x!tpu.dma_semaphore, #tpu.memory_space<semaphore_mem>> -> memref<!tpu.dma_semaphore, #tpu.memory_space<semaphore_mem>>
      tpu.enqueue_indirect_dma source(%dma_start3A_193 : memref<80x64xbf16, #tpu.memory_space<vmem>>) target(%dma_start3A_199 : memref<10000x64xbf16, #tpu.memory_space<vmem_shared>>) offsets(%dma_start3A_196 : memref<80xi32, #tpu.memory_space<vmem>>) semaphore(%dma_start3A_201 : memref<!tpu.dma_semaphore, #tpu.memory_space<semaphore_mem>>) {add = true}
      %dma_wait3A_202 = arith.constant 3 : i32
      %dma_wait3A_203 = arith.constant 3 : i32
      %dma_wait3A_204 = arith.constant 0 : i32
      %dma_wait3A_205 = arith.constant 0 : i32
      %dma_wait3A_206 = tpu.memref_slice %arg9[%dma_wait3A_202, %dma_wait3A_204, %dma_wait3A_205] : memref<5x80x64xbf16, #tpu.memory_space<vmem>> -> memref<1x80x64xbf16, #tpu.memory_space<vmem>>
      %dma_wait3A_207 = tpu.memref_squeeze %dma_wait3A_206 : memref<1x80x64xbf16, #tpu.memory_space<vmem>> -> memref<80x64xbf16, #tpu.memory_space<vmem>>
      %dma_wait3A_208 = arith.constant 0 : i32
      %dma_wait3A_209 = tpu.memref_slice %arg7[%add3A_82, %dma_wait3A_208] : memref<125x80xi32, #tpu.memory_space<vmem>> -> memref<1x80xi32, #tpu.memory_space<vmem>>
      %dma_wait3A_210 = tpu.memref_squeeze %dma_wait3A_209 : memref<1x80xi32, #tpu.memory_space<vmem>> -> memref<80xi32, #tpu.memory_space<vmem>>
      %dma_wait3A_211 = arith.constant 0 : i32
      %dma_wait3A_212 = arith.constant 0 : i32
      %dma_wait3A_213 = tpu.memref_slice %arg2[%dma_wait3A_211, %dma_wait3A_212] : memref<10000x64xbf16, #tpu.memory_space<hbm>> -> memref<10000x64xbf16, #tpu.memory_space<hbm>>
      %dma_wait3A_214 = tpu.memref_slice %arg11[%dma_wait3A_203] : memref<5x!tpu.dma_semaphore, #tpu.memory_space<semaphore_mem>> -> memref<1x!tpu.dma_semaphore, #tpu.memory_space<semaphore_mem>>
      %dma_wait3A_215 = tpu.memref_squeeze %dma_wait3A_214 : memref<1x!tpu.dma_semaphore, #tpu.memory_space<semaphore_mem>> -> memref<!tpu.dma_semaphore, #tpu.memory_space<semaphore_mem>>
      tpu.wait_indirect_dma semaphore(%dma_wait3A_215 : memref<!tpu.dma_semaphore, #tpu.memory_space<semaphore_mem>>) src(%dma_wait3A_213 : memref<10000x64xbf16, #tpu.memory_space<hbm>>) dst(%dma_wait3A_207 : memref<80x64xbf16, #tpu.memory_space<vmem>>)
      %add3A_216 = arith.constant 3 : i32
      %add3A_217 = arith.addi %mul3A_33, %add3A_216 : i32
      %dma_start3A_218 = arith.constant 3 : i32
      %dma_start3A_219 = arith.constant 3 : i32
      %dma_start3A_220 = arith.constant 0 : i32
      %dma_start3A_221 = arith.constant 0 : i32
      %dma_start3A_222 = tpu.memref_slice %arg9[%dma_start3A_218, %dma_start3A_220, %dma_start3A_221] : memref<5x80x64xbf16, #tpu.memory_space<vmem>> -> memref<1x80x64xbf16, #tpu.memory_space<vmem>>
      %dma_start3A_223 = tpu.memref_squeeze %dma_start3A_222 : memref<1x80x64xbf16, #tpu.memory_space<vmem>> -> memref<80x64xbf16, #tpu.memory_space<vmem>>
      %dma_start3A_224 = arith.constant 0 : i32
      %dma_start3A_225 = tpu.memref_slice %arg8[%add3A_217, %dma_start3A_224] : memref<125x80xi32, #tpu.memory_space<vmem>> -> memref<1x80xi32, #tpu.memory_space<vmem>>
      %dma_start3A_226 = tpu.memref_squeeze %dma_start3A_225 : memref<1x80xi32, #tpu.memory_space<vmem>> -> memref<80xi32, #tpu.memory_space<vmem>>
      %dma_start3A_227 = arith.constant 0 : i32
      %dma_start3A_228 = arith.constant 0 : i32
      %dma_start3A_229 = tpu.memref_slice %arg10[%dma_start3A_227, %dma_start3A_228] : memref<10000x64xbf16, #tpu.memory_space<vmem_shared>> -> memref<10000x64xbf16, #tpu.memory_space<vmem_shared>>
      %dma_start3A_230 = tpu.memref_slice %arg12[%dma_start3A_219] : memref<5x!tpu.dma_semaphore, #tpu.memory_space<semaphore_mem>> -> memref<1x!tpu.dma_semaphore, #tpu.memory_space<semaphore_mem>>
      %dma_start3A_231 = tpu.memref_squeeze %dma_start3A_230 : memref<1x!tpu.dma_semaphore, #tpu.memory_space<semaphore_mem>> -> memref<!tpu.dma_semaphore, #tpu.memory_space<semaphore_mem>>
      tpu.enqueue_indirect_dma source(%dma_start3A_223 : memref<80x64xbf16, #tpu.memory_space<vmem>>) target(%dma_start3A_229 : memref<10000x64xbf16, #tpu.memory_space<vmem_shared>>) offsets(%dma_start3A_226 : memref<80xi32, #tpu.memory_space<vmem>>) semaphore(%dma_start3A_231 : memref<!tpu.dma_semaphore, #tpu.memory_space<semaphore_mem>>) {add = true}
      %dma_wait3A_232 = arith.constant 4 : i32
      %dma_wait3A_233 = arith.constant 4 : i32
      %dma_wait3A_234 = arith.constant 0 : i32
      %dma_wait3A_235 = arith.constant 0 : i32
      %dma_wait3A_236 = tpu.memref_slice %arg9[%dma_wait3A_232, %dma_wait3A_234, %dma_wait3A_235] : memref<5x80x64xbf16, #tpu.memory_space<vmem>> -> memref<1x80x64xbf16, #tpu.memory_space<vmem>>
      %dma_wait3A_237 = tpu.memref_squeeze %dma_wait3A_236 : memref<1x80x64xbf16, #tpu.memory_space<vmem>> -> memref<80x64xbf16, #tpu.memory_space<vmem>>
      %dma_wait3A_238 = arith.constant 0 : i32
      %dma_wait3A_239 = tpu.memref_slice %arg7[%add3A_98, %dma_wait3A_238] : memref<125x80xi32, #tpu.memory_space<vmem>> -> memref<1x80xi32, #tpu.memory_space<vmem>>
      %dma_wait3A_240 = tpu.memref_squeeze %dma_wait3A_239 : memref<1x80xi32, #tpu.memory_space<vmem>> -> memref<80xi32, #tpu.memory_space<vmem>>
      %dma_wait3A_241 = arith.constant 0 : i32
      %dma_wait3A_242 = arith.constant 0 : i32
      %dma_wait3A_243 = tpu.memref_slice %arg2[%dma_wait3A_241, %dma_wait3A_242] : memref<10000x64xbf16, #tpu.memory_space<hbm>> -> memref<10000x64xbf16, #tpu.memory_space<hbm>>
      %dma_wait3A_244 = tpu.memref_slice %arg11[%dma_wait3A_233] : memref<5x!tpu.dma_semaphore, #tpu.memory_space<semaphore_mem>> -> memref<1x!tpu.dma_semaphore, #tpu.memory_space<semaphore_mem>>
      %dma_wait3A_245 = tpu.memref_squeeze %dma_wait3A_244 : memref<1x!tpu.dma_semaphore, #tpu.memory_space<semaphore_mem>> -> memref<!tpu.dma_semaphore, #tpu.memory_space<semaphore_mem>>
      tpu.wait_indirect_dma semaphore(%dma_wait3A_245 : memref<!tpu.dma_semaphore, #tpu.memory_space<semaphore_mem>>) src(%dma_wait3A_243 : memref<10000x64xbf16, #tpu.memory_space<hbm>>) dst(%dma_wait3A_237 : memref<80x64xbf16, #tpu.memory_space<vmem>>)
      %add3A_246 = arith.constant 4 : i32
      %add3A_247 = arith.addi %mul3A_33, %add3A_246 : i32
      %dma_start3A_248 = arith.constant 4 : i32
      %dma_start3A_249 = arith.constant 4 : i32
      %dma_start3A_250 = arith.constant 0 : i32
      %dma_start3A_251 = arith.constant 0 : i32
      %dma_start3A_252 = tpu.memref_slice %arg9[%dma_start3A_248, %dma_start3A_250, %dma_start3A_251] : memref<5x80x64xbf16, #tpu.memory_space<vmem>> -> memref<1x80x64xbf16, #tpu.memory_space<vmem>>
      %dma_start3A_253 = tpu.memref_squeeze %dma_start3A_252 : memref<1x80x64xbf16, #tpu.memory_space<vmem>> -> memref<80x64xbf16, #tpu.memory_space<vmem>>
      %dma_start3A_254 = arith.constant 0 : i32
      %dma_start3A_255 = tpu.memref_slice %arg8[%add3A_247, %dma_start3A_254] : memref<125x80xi32, #tpu.memory_space<vmem>> -> memref<1x80xi32, #tpu.memory_space<vmem>>
      %dma_start3A_256 = tpu.memref_squeeze %dma_start3A_255 : memref<1x80xi32, #tpu.memory_space<vmem>> -> memref<80xi32, #tpu.memory_space<vmem>>
      %dma_start3A_257 = arith.constant 0 : i32
      %dma_start3A_258 = arith.constant 0 : i32
      %dma_start3A_259 = tpu.memref_slice %arg10[%dma_start3A_257, %dma_start3A_258] : memref<10000x64xbf16, #tpu.memory_space<vmem_shared>> -> memref<10000x64xbf16, #tpu.memory_space<vmem_shared>>
      %dma_start3A_260 = tpu.memref_slice %arg12[%dma_start3A_249] : memref<5x!tpu.dma_semaphore, #tpu.memory_space<semaphore_mem>> -> memref<1x!tpu.dma_semaphore, #tpu.memory_space<semaphore_mem>>
      %dma_start3A_261 = tpu.memref_squeeze %dma_start3A_260 : memref<1x!tpu.dma_semaphore, #tpu.memory_space<semaphore_mem>> -> memref<!tpu.dma_semaphore, #tpu.memory_space<semaphore_mem>>
      tpu.enqueue_indirect_dma source(%dma_start3A_253 : memref<80x64xbf16, #tpu.memory_space<vmem>>) target(%dma_start3A_259 : memref<10000x64xbf16, #tpu.memory_space<vmem_shared>>) offsets(%dma_start3A_256 : memref<80xi32, #tpu.memory_space<vmem>>) semaphore(%dma_start3A_261 : memref<!tpu.dma_semaphore, #tpu.memory_space<semaphore_mem>>) {add = true}
      %dma_wait3A_262 = arith.constant 0 : i32
      %dma_wait3A_263 = arith.constant 0 : i32
      %dma_wait3A_264 = arith.constant 0 : i32
      %dma_wait3A_265 = arith.constant 0 : i32
      %dma_wait3A_266 = tpu.memref_slice %arg9[%dma_wait3A_262, %dma_wait3A_264, %dma_wait3A_265] : memref<5x80x64xbf16, #tpu.memory_space<vmem>> -> memref<1x80x64xbf16, #tpu.memory_space<vmem>>
      %dma_wait3A_267 = tpu.memref_squeeze %dma_wait3A_266 : memref<1x80x64xbf16, #tpu.memory_space<vmem>> -> memref<80x64xbf16, #tpu.memory_space<vmem>>
      %dma_wait3A_268 = arith.constant 0 : i32
      %dma_wait3A_269 = tpu.memref_slice %arg8[%add3A_127, %dma_wait3A_268] : memref<125x80xi32, #tpu.memory_space<vmem>> -> memref<1x80xi32, #tpu.memory_space<vmem>>
      %dma_wait3A_270 = tpu.memref_squeeze %dma_wait3A_269 : memref<1x80xi32, #tpu.memory_space<vmem>> -> memref<80xi32, #tpu.memory_space<vmem>>
      %dma_wait3A_271 = arith.constant 0 : i32
      %dma_wait3A_272 = arith.constant 0 : i32
      %dma_wait3A_273 = tpu.memref_slice %arg10[%dma_wait3A_271, %dma_wait3A_272] : memref<10000x64xbf16, #tpu.memory_space<vmem_shared>> -> memref<10000x64xbf16, #tpu.memory_space<vmem_shared>>
      %dma_wait3A_274 = tpu.memref_slice %arg12[%dma_wait3A_263] : memref<5x!tpu.dma_semaphore, #tpu.memory_space<semaphore_mem>> -> memref<1x!tpu.dma_semaphore, #tpu.memory_space<semaphore_mem>>
      %dma_wait3A_275 = tpu.memref_squeeze %dma_wait3A_274 : memref<1x!tpu.dma_semaphore, #tpu.memory_space<semaphore_mem>> -> memref<!tpu.dma_semaphore, #tpu.memory_space<semaphore_mem>>
      tpu.wait_indirect_dma semaphore(%dma_wait3A_275 : memref<!tpu.dma_semaphore, #tpu.memory_space<semaphore_mem>>) src(%dma_wait3A_267 : memref<80x64xbf16, #tpu.memory_space<vmem>>) dst(%dma_wait3A_273 : memref<10000x64xbf16, #tpu.memory_space<vmem_shared>>)
      %dma_wait3A_276 = arith.constant 1 : i32
      %dma_wait3A_277 = arith.constant 1 : i32
      %dma_wait3A_278 = arith.constant 0 : i32
      %dma_wait3A_279 = arith.constant 0 : i32
      %dma_wait3A_280 = tpu.memref_slice %arg9[%dma_wait3A_276, %dma_wait3A_278, %dma_wait3A_279] : memref<5x80x64xbf16, #tpu.memory_space<vmem>> -> memref<1x80x64xbf16, #tpu.memory_space<vmem>>
      %dma_wait3A_281 = tpu.memref_squeeze %dma_wait3A_280 : memref<1x80x64xbf16, #tpu.memory_space<vmem>> -> memref<80x64xbf16, #tpu.memory_space<vmem>>
      %dma_wait3A_282 = arith.constant 0 : i32
      %dma_wait3A_283 = tpu.memref_slice %arg8[%add3A_157, %dma_wait3A_282] : memref<125x80xi32, #tpu.memory_space<vmem>> -> memref<1x80xi32, #tpu.memory_space<vmem>>
      %dma_wait3A_284 = tpu.memref_squeeze %dma_wait3A_283 : memref<1x80xi32, #tpu.memory_space<vmem>> -> memref<80xi32, #tpu.memory_space<vmem>>
      %dma_wait3A_285 = arith.constant 0 : i32
      %dma_wait3A_286 = arith.constant 0 : i32
      %dma_wait3A_287 = tpu.memref_slice %arg10[%dma_wait3A_285, %dma_wait3A_286] : memref<10000x64xbf16, #tpu.memory_space<vmem_shared>> -> memref<10000x64xbf16, #tpu.memory_space<vmem_shared>>
      %dma_wait3A_288 = tpu.memref_slice %arg12[%dma_wait3A_277] : memref<5x!tpu.dma_semaphore, #tpu.memory_space<semaphore_mem>> -> memref<1x!tpu.dma_semaphore, #tpu.memory_space<semaphore_mem>>
      %dma_wait3A_289 = tpu.memref_squeeze %dma_wait3A_288 : memref<1x!tpu.dma_semaphore, #tpu.memory_space<semaphore_mem>> -> memref<!tpu.dma_semaphore, #tpu.memory_space<semaphore_mem>>
      tpu.wait_indirect_dma semaphore(%dma_wait3A_289 : memref<!tpu.dma_semaphore, #tpu.memory_space<semaphore_mem>>) src(%dma_wait3A_281 : memref<80x64xbf16, #tpu.memory_space<vmem>>) dst(%dma_wait3A_287 : memref<10000x64xbf16, #tpu.memory_space<vmem_shared>>)
      %dma_wait3A_290 = arith.constant 2 : i32
      %dma_wait3A_291 = arith.constant 2 : i32
      %dma_wait3A_292 = arith.constant 0 : i32
      %dma_wait3A_293 = arith.constant 0 : i32
      %dma_wait3A_294 = tpu.memref_slice %arg9[%dma_wait3A_290, %dma_wait3A_292, %dma_wait3A_293] : memref<5x80x64xbf16, #tpu.memory_space<vmem>> -> memref<1x80x64xbf16, #tpu.memory_space<vmem>>
      %dma_wait3A_295 = tpu.memref_squeeze %dma_wait3A_294 : memref<1x80x64xbf16, #tpu.memory_space<vmem>> -> memref<80x64xbf16, #tpu.memory_space<vmem>>
      %dma_wait3A_296 = arith.constant 0 : i32
      %dma_wait3A_297 = tpu.memref_slice %arg8[%add3A_187, %dma_wait3A_296] : memref<125x80xi32, #tpu.memory_space<vmem>> -> memref<1x80xi32, #tpu.memory_space<vmem>>
      %dma_wait3A_298 = tpu.memref_squeeze %dma_wait3A_297 : memref<1x80xi32, #tpu.memory_space<vmem>> -> memref<80xi32, #tpu.memory_space<vmem>>
      %dma_wait3A_299 = arith.constant 0 : i32
      %dma_wait3A_300 = arith.constant 0 : i32
      %dma_wait3A_301 = tpu.memref_slice %arg10[%dma_wait3A_299, %dma_wait3A_300] : memref<10000x64xbf16, #tpu.memory_space<vmem_shared>> -> memref<10000x64xbf16, #tpu.memory_space<vmem_shared>>
      %dma_wait3A_302 = tpu.memref_slice %arg12[%dma_wait3A_291] : memref<5x!tpu.dma_semaphore, #tpu.memory_space<semaphore_mem>> -> memref<1x!tpu.dma_semaphore, #tpu.memory_space<semaphore_mem>>
      %dma_wait3A_303 = tpu.memref_squeeze %dma_wait3A_302 : memref<1x!tpu.dma_semaphore, #tpu.memory_space<semaphore_mem>> -> memref<!tpu.dma_semaphore, #tpu.memory_space<semaphore_mem>>
      tpu.wait_indirect_dma semaphore(%dma_wait3A_303 : memref<!tpu.dma_semaphore, #tpu.memory_space<semaphore_mem>>) src(%dma_wait3A_295 : memref<80x64xbf16, #tpu.memory_space<vmem>>) dst(%dma_wait3A_301 : memref<10000x64xbf16, #tpu.memory_space<vmem_shared>>)
      %dma_wait3A_304 = arith.constant 3 : i32
      %dma_wait3A_305 = arith.constant 3 : i32
      %dma_wait3A_306 = arith.constant 0 : i32
      %dma_wait3A_307 = arith.constant 0 : i32
      %dma_wait3A_308 = tpu.memref_slice %arg9[%dma_wait3A_304, %dma_wait3A_306, %dma_wait3A_307] : memref<5x80x64xbf16, #tpu.memory_space<vmem>> -> memref<1x80x64xbf16, #tpu.memory_space<vmem>>
      %dma_wait3A_309 = tpu.memref_squeeze %dma_wait3A_308 : memref<1x80x64xbf16, #tpu.memory_space<vmem>> -> memref<80x64xbf16, #tpu.memory_space<vmem>>
      %dma_wait3A_310 = arith.constant 0 : i32
      %dma_wait3A_311 = tpu.memref_slice %arg8[%add3A_217, %dma_wait3A_310] : memref<125x80xi32, #tpu.memory_space<vmem>> -> memref<1x80xi32, #tpu.memory_space<vmem>>
      %dma_wait3A_312 = tpu.memref_squeeze %dma_wait3A_311 : memref<1x80xi32, #tpu.memory_space<vmem>> -> memref<80xi32, #tpu.memory_space<vmem>>
      %dma_wait3A_313 = arith.constant 0 : i32
      %dma_wait3A_314 = arith.constant 0 : i32
      %dma_wait3A_315 = tpu.memref_slice %arg10[%dma_wait3A_313, %dma_wait3A_314] : memref<10000x64xbf16, #tpu.memory_space<vmem_shared>> -> memref<10000x64xbf16, #tpu.memory_space<vmem_shared>>
      %dma_wait3A_316 = tpu.memref_slice %arg12[%dma_wait3A_305] : memref<5x!tpu.dma_semaphore, #tpu.memory_space<semaphore_mem>> -> memref<1x!tpu.dma_semaphore, #tpu.memory_space<semaphore_mem>>
      %dma_wait3A_317 = tpu.memref_squeeze %dma_wait3A_316 : memref<1x!tpu.dma_semaphore, #tpu.memory_space<semaphore_mem>> -> memref<!tpu.dma_semaphore, #tpu.memory_space<semaphore_mem>>
      tpu.wait_indirect_dma semaphore(%dma_wait3A_317 : memref<!tpu.dma_semaphore, #tpu.memory_space<semaphore_mem>>) src(%dma_wait3A_309 : memref<80x64xbf16, #tpu.memory_space<vmem>>) dst(%dma_wait3A_315 : memref<10000x64xbf16, #tpu.memory_space<vmem_shared>>)
      %dma_wait3A_318 = arith.constant 4 : i32
      %dma_wait3A_319 = arith.constant 4 : i32
      %dma_wait3A_320 = arith.constant 0 : i32
      %dma_wait3A_321 = arith.constant 0 : i32
      %dma_wait3A_322 = tpu.memref_slice %arg9[%dma_wait3A_318, %dma_wait3A_320, %dma_wait3A_321] : memref<5x80x64xbf16, #tpu.memory_space<vmem>> -> memref<1x80x64xbf16, #tpu.memory_space<vmem>>
      %dma_wait3A_323 = tpu.memref_squeeze %dma_wait3A_322 : memref<1x80x64xbf16, #tpu.memory_space<vmem>> -> memref<80x64xbf16, #tpu.memory_space<vmem>>
      %dma_wait3A_324 = arith.constant 0 : i32
      %dma_wait3A_325 = tpu.memref_slice %arg8[%add3A_247, %dma_wait3A_324] : memref<125x80xi32, #tpu.memory_space<vmem>> -> memref<1x80xi32, #tpu.memory_space<vmem>>
      %dma_wait3A_326 = tpu.memref_squeeze %dma_wait3A_325 : memref<1x80xi32, #tpu.memory_space<vmem>> -> memref<80xi32, #tpu.memory_space<vmem>>
      %dma_wait3A_327 = arith.constant 0 : i32
      %dma_wait3A_328 = arith.constant 0 : i32
      %dma_wait3A_329 = tpu.memref_slice %arg10[%dma_wait3A_327, %dma_wait3A_328] : memref<10000x64xbf16, #tpu.memory_space<vmem_shared>> -> memref<10000x64xbf16, #tpu.memory_space<vmem_shared>>
      %dma_wait3A_330 = tpu.memref_slice %arg12[%dma_wait3A_319] : memref<5x!tpu.dma_semaphore, #tpu.memory_space<semaphore_mem>> -> memref<1x!tpu.dma_semaphore, #tpu.memory_space<semaphore_mem>>
      %dma_wait3A_331 = tpu.memref_squeeze %dma_wait3A_330 : memref<1x!tpu.dma_semaphore, #tpu.memory_space<semaphore_mem>> -> memref<!tpu.dma_semaphore, #tpu.memory_space<semaphore_mem>>
      tpu.wait_indirect_dma semaphore(%dma_wait3A_331 : memref<!tpu.dma_semaphore, #tpu.memory_space<semaphore_mem>>) src(%dma_wait3A_323 : memref<80x64xbf16, #tpu.memory_space<vmem>>) dst(%dma_wait3A_329 : memref<10000x64xbf16, #tpu.memory_space<vmem_shared>>)
    }
    %scan3A_25 = arith.constant 25 : i32
    %barrier3A_26 = arith.constant 0 : index
    tpu.barrier barrier_id(%barrier3A_26)
    %mul3A_27 = arith.constant 625 : i32
    %mul3A_28 = arith.muli %arg1, %mul3A_27 : i32
    %mul3A_29 = arith.constant 625 : i32
    %mul3A_30 = arith.muli %arg1, %mul3A_29 : i32
    "tpu.region"() ({
      %run_scoped3A = tpu.sem_alloc : memref<!tpu.dma_semaphore, #tpu.memory_space<semaphore_mem>>
      %dma_start3A = arith.constant 0 : i32
      %dma_start3A_31 = tpu.memref_slice %arg6[%arg0, %mul3A_30, %dma_start3A] : memref<2x10000x64xbf16, #tpu.memory_space<hbm>> -> memref<1x625x64xbf16, #tpu.memory_space<hbm>>
      %dma_start3A_32 = tpu.memref_squeeze %dma_start3A_31 : memref<1x625x64xbf16, #tpu.memory_space<hbm>> -> memref<625x64xbf16, #tpu.memory_space<hbm>>
      %dma_start3A_33 = arith.constant 0 : i32
      %dma_start3A_34 = tpu.memref_slice %arg10[%mul3A_28, %dma_start3A_33] : memref<10000x64xbf16, #tpu.memory_space<vmem_shared>> -> memref<625x64xbf16, #tpu.memory_space<vmem_shared>>
      tpu.enqueue_dma source(%dma_start3A_34 : memref<625x64xbf16, #tpu.memory_space<vmem_shared>>) target(%dma_start3A_32 : memref<625x64xbf16, #tpu.memory_space<hbm>>) target_semaphore(%run_scoped3A : memref<!tpu.dma_semaphore, #tpu.memory_space<semaphore_mem>>)
      %dma_wait3A = arith.constant 0 : i32
      %dma_wait3A_35 = tpu.memref_slice %arg6[%arg0, %mul3A_30, %dma_wait3A] : memref<2x10000x64xbf16, #tpu.memory_space<hbm>> -> memref<1x625x64xbf16, #tpu.memory_space<hbm>>
      %dma_wait3A_36 = tpu.memref_squeeze %dma_wait3A_35 : memref<1x625x64xbf16, #tpu.memory_space<hbm>> -> memref<625x64xbf16, #tpu.memory_space<hbm>>
      %dma_wait3A_37 = arith.constant 0 : i32
      %dma_wait3A_38 = tpu.memref_slice %arg10[%mul3A_28, %dma_wait3A_37] : memref<10000x64xbf16, #tpu.memory_space<vmem_shared>> -> memref<625x64xbf16, #tpu.memory_space<vmem_shared>>
      tpu.wait_dma2 semaphore(%run_scoped3A : memref<!tpu.dma_semaphore, #tpu.memory_space<semaphore_mem>>) src(%dma_wait3A_38 : memref<625x64xbf16, #tpu.memory_space<vmem_shared>>) dst(%dma_wait3A_36 : memref<625x64xbf16, #tpu.memory_space<hbm>>)
      tpu.yield
    }) : () -> ()
    return
  }
}

#map = affine_map<(d0, d1) -> (0, 0, 0)>
#map1 = affine_map<(d0, d1) -> (0)>
module attributes {stable_mosaic.version = 14 : i64} {
  func.func @_sc_degrees_body(%arg0: i32, %arg1: i32, %arg2: memref<32x125x80xi32, #tpu.memory_space<hbm>>, %arg3: memref<32x125x80xi32, #tpu.memory_space<hbm>>, %arg4: memref<80xf32, #tpu.memory_space<hbm>>, %arg5: memref<640xf32, #tpu.memory_space<hbm>>, %arg6: memref<2x2x10240xf32, #tpu.memory_space<hbm>>, %arg7: memref<125x80xi32, #tpu.memory_space<vmem>>, %arg8: memref<125x80xi32, #tpu.memory_space<vmem>>, %arg9: memref<80xf32, #tpu.memory_space<vmem>>, %arg10: memref<10240xf32, #tpu.memory_space<vmem_shared>>, %arg11: memref<10240xf32, #tpu.memory_space<vmem_shared>>, %arg12: memref<10x!tpu.dma_semaphore, #tpu.memory_space<semaphore_mem>>) attributes {dimension_semantics = [#tpu.dimension_semantics<core_parallel>, #tpu.dimension_semantics<subcore_parallel>], iteration_bounds = array<i64: 2, 16>, scalar_prefetch = 0 : i64, scratch_operands = 6 : i64, tpu.core_type = #tpu.core_type<sc_vector_subcore>, window_params = [{transform_indices = #map}, {transform_indices = #map}, {transform_indices = #map1}, {transform_indices = #map1}, {transform_indices = #map}]} {
    %mul3A = arith.constant 2 : i32
    %mul3A_0 = arith.muli %arg1, %mul3A : i32
    %add3A = arith.addi %mul3A_0, %arg0 : i32
    %mul3A_1 = arith.constant 640 : i32
    %mul3A_2 = arith.muli %arg1, %mul3A_1 : i32
    "tpu.region"() ({
      %run_scoped3A_10 = tpu.sem_alloc : memref<!tpu.dma_semaphore, #tpu.memory_space<semaphore_mem>>
      %dma_start3A = tpu.memref_slice %arg10[%mul3A_2] : memref<10240xf32, #tpu.memory_space<vmem_shared>> -> memref<640xf32, #tpu.memory_space<vmem_shared>>
      tpu.enqueue_dma source(%arg5 : memref<640xf32, #tpu.memory_space<hbm>>) target(%dma_start3A : memref<640xf32, #tpu.memory_space<vmem_shared>>) target_semaphore(%run_scoped3A_10 : memref<!tpu.dma_semaphore, #tpu.memory_space<semaphore_mem>>)
      %dma_wait3A = tpu.memref_slice %arg10[%mul3A_2] : memref<10240xf32, #tpu.memory_space<vmem_shared>> -> memref<640xf32, #tpu.memory_space<vmem_shared>>
      tpu.wait_dma2 semaphore(%run_scoped3A_10 : memref<!tpu.dma_semaphore, #tpu.memory_space<semaphore_mem>>) src(%arg5 : memref<640xf32, #tpu.memory_space<hbm>>) dst(%dma_wait3A : memref<640xf32, #tpu.memory_space<vmem_shared>>)
      tpu.yield
    }) : () -> ()
    "tpu.region"() ({
      %run_scoped3A_10 = tpu.sem_alloc : memref<!tpu.dma_semaphore, #tpu.memory_space<semaphore_mem>>
      %dma_start3A = tpu.memref_slice %arg11[%mul3A_2] : memref<10240xf32, #tpu.memory_space<vmem_shared>> -> memref<640xf32, #tpu.memory_space<vmem_shared>>
      tpu.enqueue_dma source(%arg5 : memref<640xf32, #tpu.memory_space<hbm>>) target(%dma_start3A : memref<640xf32, #tpu.memory_space<vmem_shared>>) target_semaphore(%run_scoped3A_10 : memref<!tpu.dma_semaphore, #tpu.memory_space<semaphore_mem>>)
      %dma_wait3A = tpu.memref_slice %arg11[%mul3A_2] : memref<10240xf32, #tpu.memory_space<vmem_shared>> -> memref<640xf32, #tpu.memory_space<vmem_shared>>
      tpu.wait_dma2 semaphore(%run_scoped3A_10 : memref<!tpu.dma_semaphore, #tpu.memory_space<semaphore_mem>>) src(%arg5 : memref<640xf32, #tpu.memory_space<hbm>>) dst(%dma_wait3A : memref<640xf32, #tpu.memory_space<vmem_shared>>)
      tpu.yield
    }) : () -> ()
    "tpu.region"() ({
      %run_scoped3A_10 = tpu.sem_alloc : memref<!tpu.dma_semaphore, #tpu.memory_space<semaphore_mem>>
      tpu.enqueue_dma source(%arg4 : memref<80xf32, #tpu.memory_space<hbm>>) target(%arg9 : memref<80xf32, #tpu.memory_space<vmem>>) target_semaphore(%run_scoped3A_10 : memref<!tpu.dma_semaphore, #tpu.memory_space<semaphore_mem>>)
      tpu.wait_dma2 semaphore(%run_scoped3A_10 : memref<!tpu.dma_semaphore, #tpu.memory_space<semaphore_mem>>) src(%arg4 : memref<80xf32, #tpu.memory_space<hbm>>) dst(%arg9 : memref<80xf32, #tpu.memory_space<vmem>>)
      tpu.yield
    }) : () -> ()
    "tpu.region"() ({
      %run_scoped3A_10 = tpu.sem_alloc : memref<!tpu.dma_semaphore, #tpu.memory_space<semaphore_mem>>
      %dma_start3A = arith.constant 0 : i32
      %dma_start3A_11 = arith.constant 0 : i32
      %dma_start3A_12 = tpu.memref_slice %arg2[%add3A, %dma_start3A, %dma_start3A_11] : memref<32x125x80xi32, #tpu.memory_space<hbm>> -> memref<1x125x80xi32, #tpu.memory_space<hbm>>
      %dma_start3A_13 = tpu.memref_squeeze %dma_start3A_12 : memref<1x125x80xi32, #tpu.memory_space<hbm>> -> memref<125x80xi32, #tpu.memory_space<hbm>>
      %dma_start3A_14 = arith.constant 0 : i32
      %dma_start3A_15 = arith.constant 0 : i32
      %dma_start3A_16 = tpu.memref_slice %arg2[%add3A, %dma_start3A_14, %dma_start3A_15] : memref<32x125x80xi32, #tpu.memory_space<hbm>> -> memref<1x125x80xi32, #tpu.memory_space<hbm>>
      %dma_start3A_17 = tpu.memref_squeeze %dma_start3A_16 : memref<1x125x80xi32, #tpu.memory_space<hbm>> -> memref<125x80xi32, #tpu.memory_space<hbm>>
      tpu.enqueue_dma source(%dma_start3A_17 : memref<125x80xi32, #tpu.memory_space<hbm>>) target(%arg7 : memref<125x80xi32, #tpu.memory_space<vmem>>) target_semaphore(%run_scoped3A_10 : memref<!tpu.dma_semaphore, #tpu.memory_space<semaphore_mem>>)
      %dma_wait3A = arith.constant 0 : i32
      %dma_wait3A_18 = arith.constant 0 : i32
      %dma_wait3A_19 = tpu.memref_slice %arg2[%add3A, %dma_wait3A, %dma_wait3A_18] : memref<32x125x80xi32, #tpu.memory_space<hbm>> -> memref<1x125x80xi32, #tpu.memory_space<hbm>>
      %dma_wait3A_20 = tpu.memref_squeeze %dma_wait3A_19 : memref<1x125x80xi32, #tpu.memory_space<hbm>> -> memref<125x80xi32, #tpu.memory_space<hbm>>
      %dma_wait3A_21 = arith.constant 0 : i32
      %dma_wait3A_22 = arith.constant 0 : i32
      %dma_wait3A_23 = tpu.memref_slice %arg2[%add3A, %dma_wait3A_21, %dma_wait3A_22] : memref<32x125x80xi32, #tpu.memory_space<hbm>> -> memref<1x125x80xi32, #tpu.memory_space<hbm>>
      %dma_wait3A_24 = tpu.memref_squeeze %dma_wait3A_23 : memref<1x125x80xi32, #tpu.memory_space<hbm>> -> memref<125x80xi32, #tpu.memory_space<hbm>>
      tpu.wait_dma2 semaphore(%run_scoped3A_10 : memref<!tpu.dma_semaphore, #tpu.memory_space<semaphore_mem>>) src(%dma_wait3A_24 : memref<125x80xi32, #tpu.memory_space<hbm>>) dst(%arg7 : memref<125x80xi32, #tpu.memory_space<vmem>>)
      tpu.yield
    }) : () -> ()
    "tpu.region"() ({
      %run_scoped3A_10 = tpu.sem_alloc : memref<!tpu.dma_semaphore, #tpu.memory_space<semaphore_mem>>
      %dma_start3A = arith.constant 0 : i32
      %dma_start3A_11 = arith.constant 0 : i32
      %dma_start3A_12 = tpu.memref_slice %arg3[%add3A, %dma_start3A, %dma_start3A_11] : memref<32x125x80xi32, #tpu.memory_space<hbm>> -> memref<1x125x80xi32, #tpu.memory_space<hbm>>
      %dma_start3A_13 = tpu.memref_squeeze %dma_start3A_12 : memref<1x125x80xi32, #tpu.memory_space<hbm>> -> memref<125x80xi32, #tpu.memory_space<hbm>>
      %dma_start3A_14 = arith.constant 0 : i32
      %dma_start3A_15 = arith.constant 0 : i32
      %dma_start3A_16 = tpu.memref_slice %arg3[%add3A, %dma_start3A_14, %dma_start3A_15] : memref<32x125x80xi32, #tpu.memory_space<hbm>> -> memref<1x125x80xi32, #tpu.memory_space<hbm>>
      %dma_start3A_17 = tpu.memref_squeeze %dma_start3A_16 : memref<1x125x80xi32, #tpu.memory_space<hbm>> -> memref<125x80xi32, #tpu.memory_space<hbm>>
      tpu.enqueue_dma source(%dma_start3A_17 : memref<125x80xi32, #tpu.memory_space<hbm>>) target(%arg8 : memref<125x80xi32, #tpu.memory_space<vmem>>) target_semaphore(%run_scoped3A_10 : memref<!tpu.dma_semaphore, #tpu.memory_space<semaphore_mem>>)
      %dma_wait3A = arith.constant 0 : i32
      %dma_wait3A_18 = arith.constant 0 : i32
      %dma_wait3A_19 = tpu.memref_slice %arg3[%add3A, %dma_wait3A, %dma_wait3A_18] : memref<32x125x80xi32, #tpu.memory_space<hbm>> -> memref<1x125x80xi32, #tpu.memory_space<hbm>>
      %dma_wait3A_20 = tpu.memref_squeeze %dma_wait3A_19 : memref<1x125x80xi32, #tpu.memory_space<hbm>> -> memref<125x80xi32, #tpu.memory_space<hbm>>
      %dma_wait3A_21 = arith.constant 0 : i32
      %dma_wait3A_22 = arith.constant 0 : i32
      %dma_wait3A_23 = tpu.memref_slice %arg3[%add3A, %dma_wait3A_21, %dma_wait3A_22] : memref<32x125x80xi32, #tpu.memory_space<hbm>> -> memref<1x125x80xi32, #tpu.memory_space<hbm>>
      %dma_wait3A_24 = tpu.memref_squeeze %dma_wait3A_23 : memref<1x125x80xi32, #tpu.memory_space<hbm>> -> memref<125x80xi32, #tpu.memory_space<hbm>>
      tpu.wait_dma2 semaphore(%run_scoped3A_10 : memref<!tpu.dma_semaphore, #tpu.memory_space<semaphore_mem>>) src(%dma_wait3A_24 : memref<125x80xi32, #tpu.memory_space<hbm>>) dst(%arg8 : memref<125x80xi32, #tpu.memory_space<vmem>>)
      tpu.yield
    }) : () -> ()
    %barrier3A = arith.constant 0 : index
    tpu.barrier barrier_id(%barrier3A)
    %scan3A = arith.constant 0 : i32
    %scan3A_3 = arith.constant 0 : i32
    %scan3A_4 = arith.constant 25 : i32
    %scan3A_5 = arith.addi %scan3A_3, %scan3A_4 : i32
    %scan3A_6 = arith.constant 1 : i32
    scf.for %scan3A_10 = %scan3A_3 to %scan3A_5 step %scan3A_6  : i32 {
      %mul3A_11 = arith.constant 5 : i32
      %mul3A_12 = arith.muli %scan3A_10, %mul3A_11 : i32
      %add3A_13 = arith.constant 0 : i32
      %add3A_14 = arith.addi %mul3A_12, %add3A_13 : i32
      %dma_start3A = arith.constant 0 : i32
      %dma_start3A_15 = arith.constant 0 : i32
      %dma_start3A_16 = tpu.memref_slice %arg7[%add3A_14, %dma_start3A_15] : memref<125x80xi32, #tpu.memory_space<vmem>> -> memref<1x80xi32, #tpu.memory_space<vmem>>
      %dma_start3A_17 = tpu.memref_squeeze %dma_start3A_16 : memref<1x80xi32, #tpu.memory_space<vmem>> -> memref<80xi32, #tpu.memory_space<vmem>>
      %dma_start3A_18 = arith.constant 0 : i32
      %dma_start3A_19 = tpu.memref_slice %arg10[%dma_start3A_18] : memref<10240xf32, #tpu.memory_space<vmem_shared>> -> memref<10240xf32, #tpu.memory_space<vmem_shared>>
      %dma_start3A_20 = tpu.memref_slice %arg12[%dma_start3A] : memref<10x!tpu.dma_semaphore, #tpu.memory_space<semaphore_mem>> -> memref<1x!tpu.dma_semaphore, #tpu.memory_space<semaphore_mem>>
      %dma_start3A_21 = tpu.memref_squeeze %dma_start3A_20 : memref<1x!tpu.dma_semaphore, #tpu.memory_space<semaphore_mem>> -> memref<!tpu.dma_semaphore, #tpu.memory_space<semaphore_mem>>
      tpu.enqueue_indirect_dma source(%arg9 : memref<80xf32, #tpu.memory_space<vmem>>) target(%dma_start3A_19 : memref<10240xf32, #tpu.memory_space<vmem_shared>>) offsets(%dma_start3A_17 : memref<80xi32, #tpu.memory_space<vmem>>) semaphore(%dma_start3A_21 : memref<!tpu.dma_semaphore, #tpu.memory_space<semaphore_mem>>) {add = true}
      %add3A_22 = arith.constant 1 : i32
      %add3A_23 = arith.addi %mul3A_12, %add3A_22 : i32
      %dma_start3A_24 = arith.constant 1 : i32
      %dma_start3A_25 = arith.constant 0 : i32
      %dma_start3A_26 = tpu.memref_slice %arg7[%add3A_23, %dma_start3A_25] : memref<125x80xi32, #tpu.memory_space<vmem>> -> memref<1x80xi32, #tpu.memory_space<vmem>>
      %dma_start3A_27 = tpu.memref_squeeze %dma_start3A_26 : memref<1x80xi32, #tpu.memory_space<vmem>> -> memref<80xi32, #tpu.memory_space<vmem>>
      %dma_start3A_28 = arith.constant 0 : i32
      %dma_start3A_29 = tpu.memref_slice %arg10[%dma_start3A_28] : memref<10240xf32, #tpu.memory_space<vmem_shared>> -> memref<10240xf32, #tpu.memory_space<vmem_shared>>
      %dma_start3A_30 = tpu.memref_slice %arg12[%dma_start3A_24] : memref<10x!tpu.dma_semaphore, #tpu.memory_space<semaphore_mem>> -> memref<1x!tpu.dma_semaphore, #tpu.memory_space<semaphore_mem>>
      %dma_start3A_31 = tpu.memref_squeeze %dma_start3A_30 : memref<1x!tpu.dma_semaphore, #tpu.memory_space<semaphore_mem>> -> memref<!tpu.dma_semaphore, #tpu.memory_space<semaphore_mem>>
      tpu.enqueue_indirect_dma source(%arg9 : memref<80xf32, #tpu.memory_space<vmem>>) target(%dma_start3A_29 : memref<10240xf32, #tpu.memory_space<vmem_shared>>) offsets(%dma_start3A_27 : memref<80xi32, #tpu.memory_space<vmem>>) semaphore(%dma_start3A_31 : memref<!tpu.dma_semaphore, #tpu.memory_space<semaphore_mem>>) {add = true}
      %add3A_32 = arith.constant 2 : i32
      %add3A_33 = arith.addi %mul3A_12, %add3A_32 : i32
      %dma_start3A_34 = arith.constant 2 : i32
      %dma_start3A_35 = arith.constant 0 : i32
      %dma_start3A_36 = tpu.memref_slice %arg7[%add3A_33, %dma_start3A_35] : memref<125x80xi32, #tpu.memory_space<vmem>> -> memref<1x80xi32, #tpu.memory_space<vmem>>
      %dma_start3A_37 = tpu.memref_squeeze %dma_start3A_36 : memref<1x80xi32, #tpu.memory_space<vmem>> -> memref<80xi32, #tpu.memory_space<vmem>>
      %dma_start3A_38 = arith.constant 0 : i32
      %dma_start3A_39 = tpu.memref_slice %arg10[%dma_start3A_38] : memref<10240xf32, #tpu.memory_space<vmem_shared>> -> memref<10240xf32, #tpu.memory_space<vmem_shared>>
      %dma_start3A_40 = tpu.memref_slice %arg12[%dma_start3A_34] : memref<10x!tpu.dma_semaphore, #tpu.memory_space<semaphore_mem>> -> memref<1x!tpu.dma_semaphore, #tpu.memory_space<semaphore_mem>>
      %dma_start3A_41 = tpu.memref_squeeze %dma_start3A_40 : memref<1x!tpu.dma_semaphore, #tpu.memory_space<semaphore_mem>> -> memref<!tpu.dma_semaphore, #tpu.memory_space<semaphore_mem>>
      tpu.enqueue_indirect_dma source(%arg9 : memref<80xf32, #tpu.memory_space<vmem>>) target(%dma_start3A_39 : memref<10240xf32, #tpu.memory_space<vmem_shared>>) offsets(%dma_start3A_37 : memref<80xi32, #tpu.memory_space<vmem>>) semaphore(%dma_start3A_41 : memref<!tpu.dma_semaphore, #tpu.memory_space<semaphore_mem>>) {add = true}
      %add3A_42 = arith.constant 3 : i32
      %add3A_43 = arith.addi %mul3A_12, %add3A_42 : i32
      %dma_start3A_44 = arith.constant 3 : i32
      %dma_start3A_45 = arith.constant 0 : i32
      %dma_start3A_46 = tpu.memref_slice %arg7[%add3A_43, %dma_start3A_45] : memref<125x80xi32, #tpu.memory_space<vmem>> -> memref<1x80xi32, #tpu.memory_space<vmem>>
      %dma_start3A_47 = tpu.memref_squeeze %dma_start3A_46 : memref<1x80xi32, #tpu.memory_space<vmem>> -> memref<80xi32, #tpu.memory_space<vmem>>
      %dma_start3A_48 = arith.constant 0 : i32
      %dma_start3A_49 = tpu.memref_slice %arg10[%dma_start3A_48] : memref<10240xf32, #tpu.memory_space<vmem_shared>> -> memref<10240xf32, #tpu.memory_space<vmem_shared>>
      %dma_start3A_50 = tpu.memref_slice %arg12[%dma_start3A_44] : memref<10x!tpu.dma_semaphore, #tpu.memory_space<semaphore_mem>> -> memref<1x!tpu.dma_semaphore, #tpu.memory_space<semaphore_mem>>
      %dma_start3A_51 = tpu.memref_squeeze %dma_start3A_50 : memref<1x!tpu.dma_semaphore, #tpu.memory_space<semaphore_mem>> -> memref<!tpu.dma_semaphore, #tpu.memory_space<semaphore_mem>>
      tpu.enqueue_indirect_dma source(%arg9 : memref<80xf32, #tpu.memory_space<vmem>>) target(%dma_start3A_49 : memref<10240xf32, #tpu.memory_space<vmem_shared>>) offsets(%dma_start3A_47 : memref<80xi32, #tpu.memory_space<vmem>>) semaphore(%dma_start3A_51 : memref<!tpu.dma_semaphore, #tpu.memory_space<semaphore_mem>>) {add = true}
      %add3A_52 = arith.constant 4 : i32
      %add3A_53 = arith.addi %mul3A_12, %add3A_52 : i32
      %dma_start3A_54 = arith.constant 4 : i32
      %dma_start3A_55 = arith.constant 0 : i32
      %dma_start3A_56 = tpu.memref_slice %arg7[%add3A_53, %dma_start3A_55] : memref<125x80xi32, #tpu.memory_space<vmem>> -> memref<1x80xi32, #tpu.memory_space<vmem>>
      %dma_start3A_57 = tpu.memref_squeeze %dma_start3A_56 : memref<1x80xi32, #tpu.memory_space<vmem>> -> memref<80xi32, #tpu.memory_space<vmem>>
      %dma_start3A_58 = arith.constant 0 : i32
      %dma_start3A_59 = tpu.memref_slice %arg10[%dma_start3A_58] : memref<10240xf32, #tpu.memory_space<vmem_shared>> -> memref<10240xf32, #tpu.memory_space<vmem_shared>>
      %dma_start3A_60 = tpu.memref_slice %arg12[%dma_start3A_54] : memref<10x!tpu.dma_semaphore, #tpu.memory_space<semaphore_mem>> -> memref<1x!tpu.dma_semaphore, #tpu.memory_space<semaphore_mem>>
      %dma_start3A_61 = tpu.memref_squeeze %dma_start3A_60 : memref<1x!tpu.dma_semaphore, #tpu.memory_space<semaphore_mem>> -> memref<!tpu.dma_semaphore, #tpu.memory_space<semaphore_mem>>
      tpu.enqueue_indirect_dma source(%arg9 : memref<80xf32, #tpu.memory_space<vmem>>) target(%dma_start3A_59 : memref<10240xf32, #tpu.memory_space<vmem_shared>>) offsets(%dma_start3A_57 : memref<80xi32, #tpu.memory_space<vmem>>) semaphore(%dma_start3A_61 : memref<!tpu.dma_semaphore, #tpu.memory_space<semaphore_mem>>) {add = true}
      %add3A_62 = arith.constant 0 : i32
      %add3A_63 = arith.addi %mul3A_12, %add3A_62 : i32
      %dma_start3A_64 = arith.constant 5 : i32
      %dma_start3A_65 = arith.constant 0 : i32
      %dma_start3A_66 = tpu.memref_slice %arg8[%add3A_63, %dma_start3A_65] : memref<125x80xi32, #tpu.memory_space<vmem>> -> memref<1x80xi32, #tpu.memory_space<vmem>>
      %dma_start3A_67 = tpu.memref_squeeze %dma_start3A_66 : memref<1x80xi32, #tpu.memory_space<vmem>> -> memref<80xi32, #tpu.memory_space<vmem>>
      %dma_start3A_68 = arith.constant 0 : i32
      %dma_start3A_69 = tpu.memref_slice %arg11[%dma_start3A_68] : memref<10240xf32, #tpu.memory_space<vmem_shared>> -> memref<10240xf32, #tpu.memory_space<vmem_shared>>
      %dma_start3A_70 = tpu.memref_slice %arg12[%dma_start3A_64] : memref<10x!tpu.dma_semaphore, #tpu.memory_space<semaphore_mem>> -> memref<1x!tpu.dma_semaphore, #tpu.memory_space<semaphore_mem>>
      %dma_start3A_71 = tpu.memref_squeeze %dma_start3A_70 : memref<1x!tpu.dma_semaphore, #tpu.memory_space<semaphore_mem>> -> memref<!tpu.dma_semaphore, #tpu.memory_space<semaphore_mem>>
      tpu.enqueue_indirect_dma source(%arg9 : memref<80xf32, #tpu.memory_space<vmem>>) target(%dma_start3A_69 : memref<10240xf32, #tpu.memory_space<vmem_shared>>) offsets(%dma_start3A_67 : memref<80xi32, #tpu.memory_space<vmem>>) semaphore(%dma_start3A_71 : memref<!tpu.dma_semaphore, #tpu.memory_space<semaphore_mem>>) {add = true}
      %add3A_72 = arith.constant 1 : i32
      %add3A_73 = arith.addi %mul3A_12, %add3A_72 : i32
      %dma_start3A_74 = arith.constant 6 : i32
      %dma_start3A_75 = arith.constant 0 : i32
      %dma_start3A_76 = tpu.memref_slice %arg8[%add3A_73, %dma_start3A_75] : memref<125x80xi32, #tpu.memory_space<vmem>> -> memref<1x80xi32, #tpu.memory_space<vmem>>
      %dma_start3A_77 = tpu.memref_squeeze %dma_start3A_76 : memref<1x80xi32, #tpu.memory_space<vmem>> -> memref<80xi32, #tpu.memory_space<vmem>>
      %dma_start3A_78 = arith.constant 0 : i32
      %dma_start3A_79 = tpu.memref_slice %arg11[%dma_start3A_78] : memref<10240xf32, #tpu.memory_space<vmem_shared>> -> memref<10240xf32, #tpu.memory_space<vmem_shared>>
      %dma_start3A_80 = tpu.memref_slice %arg12[%dma_start3A_74] : memref<10x!tpu.dma_semaphore, #tpu.memory_space<semaphore_mem>> -> memref<1x!tpu.dma_semaphore, #tpu.memory_space<semaphore_mem>>
      %dma_start3A_81 = tpu.memref_squeeze %dma_start3A_80 : memref<1x!tpu.dma_semaphore, #tpu.memory_space<semaphore_mem>> -> memref<!tpu.dma_semaphore, #tpu.memory_space<semaphore_mem>>
      tpu.enqueue_indirect_dma source(%arg9 : memref<80xf32, #tpu.memory_space<vmem>>) target(%dma_start3A_79 : memref<10240xf32, #tpu.memory_space<vmem_shared>>) offsets(%dma_start3A_77 : memref<80xi32, #tpu.memory_space<vmem>>) semaphore(%dma_start3A_81 : memref<!tpu.dma_semaphore, #tpu.memory_space<semaphore_mem>>) {add = true}
      %add3A_82 = arith.constant 2 : i32
      %add3A_83 = arith.addi %mul3A_12, %add3A_82 : i32
      %dma_start3A_84 = arith.constant 7 : i32
      %dma_start3A_85 = arith.constant 0 : i32
      %dma_start3A_86 = tpu.memref_slice %arg8[%add3A_83, %dma_start3A_85] : memref<125x80xi32, #tpu.memory_space<vmem>> -> memref<1x80xi32, #tpu.memory_space<vmem>>
      %dma_start3A_87 = tpu.memref_squeeze %dma_start3A_86 : memref<1x80xi32, #tpu.memory_space<vmem>> -> memref<80xi32, #tpu.memory_space<vmem>>
      %dma_start3A_88 = arith.constant 0 : i32
      %dma_start3A_89 = tpu.memref_slice %arg11[%dma_start3A_88] : memref<10240xf32, #tpu.memory_space<vmem_shared>> -> memref<10240xf32, #tpu.memory_space<vmem_shared>>
      %dma_start3A_90 = tpu.memref_slice %arg12[%dma_start3A_84] : memref<10x!tpu.dma_semaphore, #tpu.memory_space<semaphore_mem>> -> memref<1x!tpu.dma_semaphore, #tpu.memory_space<semaphore_mem>>
      %dma_start3A_91 = tpu.memref_squeeze %dma_start3A_90 : memref<1x!tpu.dma_semaphore, #tpu.memory_space<semaphore_mem>> -> memref<!tpu.dma_semaphore, #tpu.memory_space<semaphore_mem>>
      tpu.enqueue_indirect_dma source(%arg9 : memref<80xf32, #tpu.memory_space<vmem>>) target(%dma_start3A_89 : memref<10240xf32, #tpu.memory_space<vmem_shared>>) offsets(%dma_start3A_87 : memref<80xi32, #tpu.memory_space<vmem>>) semaphore(%dma_start3A_91 : memref<!tpu.dma_semaphore, #tpu.memory_space<semaphore_mem>>) {add = true}
      %add3A_92 = arith.constant 3 : i32
      %add3A_93 = arith.addi %mul3A_12, %add3A_92 : i32
      %dma_start3A_94 = arith.constant 8 : i32
      %dma_start3A_95 = arith.constant 0 : i32
      %dma_start3A_96 = tpu.memref_slice %arg8[%add3A_93, %dma_start3A_95] : memref<125x80xi32, #tpu.memory_space<vmem>> -> memref<1x80xi32, #tpu.memory_space<vmem>>
      %dma_start3A_97 = tpu.memref_squeeze %dma_start3A_96 : memref<1x80xi32, #tpu.memory_space<vmem>> -> memref<80xi32, #tpu.memory_space<vmem>>
      %dma_start3A_98 = arith.constant 0 : i32
      %dma_start3A_99 = tpu.memref_slice %arg11[%dma_start3A_98] : memref<10240xf32, #tpu.memory_space<vmem_shared>> -> memref<10240xf32, #tpu.memory_space<vmem_shared>>
      %dma_start3A_100 = tpu.memref_slice %arg12[%dma_start3A_94] : memref<10x!tpu.dma_semaphore, #tpu.memory_space<semaphore_mem>> -> memref<1x!tpu.dma_semaphore, #tpu.memory_space<semaphore_mem>>
      %dma_start3A_101 = tpu.memref_squeeze %dma_start3A_100 : memref<1x!tpu.dma_semaphore, #tpu.memory_space<semaphore_mem>> -> memref<!tpu.dma_semaphore, #tpu.memory_space<semaphore_mem>>
      tpu.enqueue_indirect_dma source(%arg9 : memref<80xf32, #tpu.memory_space<vmem>>) target(%dma_start3A_99 : memref<10240xf32, #tpu.memory_space<vmem_shared>>) offsets(%dma_start3A_97 : memref<80xi32, #tpu.memory_space<vmem>>) semaphore(%dma_start3A_101 : memref<!tpu.dma_semaphore, #tpu.memory_space<semaphore_mem>>) {add = true}
      %add3A_102 = arith.constant 4 : i32
      %add3A_103 = arith.addi %mul3A_12, %add3A_102 : i32
      %dma_start3A_104 = arith.constant 9 : i32
      %dma_start3A_105 = arith.constant 0 : i32
      %dma_start3A_106 = tpu.memref_slice %arg8[%add3A_103, %dma_start3A_105] : memref<125x80xi32, #tpu.memory_space<vmem>> -> memref<1x80xi32, #tpu.memory_space<vmem>>
      %dma_start3A_107 = tpu.memref_squeeze %dma_start3A_106 : memref<1x80xi32, #tpu.memory_space<vmem>> -> memref<80xi32, #tpu.memory_space<vmem>>
      %dma_start3A_108 = arith.constant 0 : i32
      %dma_start3A_109 = tpu.memref_slice %arg11[%dma_start3A_108] : memref<10240xf32, #tpu.memory_space<vmem_shared>> -> memref<10240xf32, #tpu.memory_space<vmem_shared>>
      %dma_start3A_110 = tpu.memref_slice %arg12[%dma_start3A_104] : memref<10x!tpu.dma_semaphore, #tpu.memory_space<semaphore_mem>> -> memref<1x!tpu.dma_semaphore, #tpu.memory_space<semaphore_mem>>
      %dma_start3A_111 = tpu.memref_squeeze %dma_start3A_110 : memref<1x!tpu.dma_semaphore, #tpu.memory_space<semaphore_mem>> -> memref<!tpu.dma_semaphore, #tpu.memory_space<semaphore_mem>>
      tpu.enqueue_indirect_dma source(%arg9 : memref<80xf32, #tpu.memory_space<vmem>>) target(%dma_start3A_109 : memref<10240xf32, #tpu.memory_space<vmem_shared>>) offsets(%dma_start3A_107 : memref<80xi32, #tpu.memory_space<vmem>>) semaphore(%dma_start3A_111 : memref<!tpu.dma_semaphore, #tpu.memory_space<semaphore_mem>>) {add = true}
      %dma_wait3A = arith.constant 0 : i32
      %dma_wait3A_112 = arith.constant 0 : i32
      %dma_wait3A_113 = tpu.memref_slice %arg7[%add3A_14, %dma_wait3A_112] : memref<125x80xi32, #tpu.memory_space<vmem>> -> memref<1x80xi32, #tpu.memory_space<vmem>>
      %dma_wait3A_114 = tpu.memref_squeeze %dma_wait3A_113 : memref<1x80xi32, #tpu.memory_space<vmem>> -> memref<80xi32, #tpu.memory_space<vmem>>
      %dma_wait3A_115 = arith.constant 0 : i32
      %dma_wait3A_116 = tpu.memref_slice %arg10[%dma_wait3A_115] : memref<10240xf32, #tpu.memory_space<vmem_shared>> -> memref<10240xf32, #tpu.memory_space<vmem_shared>>
      %dma_wait3A_117 = tpu.memref_slice %arg12[%dma_wait3A] : memref<10x!tpu.dma_semaphore, #tpu.memory_space<semaphore_mem>> -> memref<1x!tpu.dma_semaphore, #tpu.memory_space<semaphore_mem>>
      %dma_wait3A_118 = tpu.memref_squeeze %dma_wait3A_117 : memref<1x!tpu.dma_semaphore, #tpu.memory_space<semaphore_mem>> -> memref<!tpu.dma_semaphore, #tpu.memory_space<semaphore_mem>>
      tpu.wait_indirect_dma semaphore(%dma_wait3A_118 : memref<!tpu.dma_semaphore, #tpu.memory_space<semaphore_mem>>) src(%arg9 : memref<80xf32, #tpu.memory_space<vmem>>) dst(%dma_wait3A_116 : memref<10240xf32, #tpu.memory_space<vmem_shared>>)
      %dma_wait3A_119 = arith.constant 1 : i32
      %dma_wait3A_120 = arith.constant 0 : i32
      %dma_wait3A_121 = tpu.memref_slice %arg7[%add3A_23, %dma_wait3A_120] : memref<125x80xi32, #tpu.memory_space<vmem>> -> memref<1x80xi32, #tpu.memory_space<vmem>>
      %dma_wait3A_122 = tpu.memref_squeeze %dma_wait3A_121 : memref<1x80xi32, #tpu.memory_space<vmem>> -> memref<80xi32, #tpu.memory_space<vmem>>
      %dma_wait3A_123 = arith.constant 0 : i32
      %dma_wait3A_124 = tpu.memref_slice %arg10[%dma_wait3A_123] : memref<10240xf32, #tpu.memory_space<vmem_shared>> -> memref<10240xf32, #tpu.memory_space<vmem_shared>>
      %dma_wait3A_125 = tpu.memref_slice %arg12[%dma_wait3A_119] : memref<10x!tpu.dma_semaphore, #tpu.memory_space<semaphore_mem>> -> memref<1x!tpu.dma_semaphore, #tpu.memory_space<semaphore_mem>>
      %dma_wait3A_126 = tpu.memref_squeeze %dma_wait3A_125 : memref<1x!tpu.dma_semaphore, #tpu.memory_space<semaphore_mem>> -> memref<!tpu.dma_semaphore, #tpu.memory_space<semaphore_mem>>
      tpu.wait_indirect_dma semaphore(%dma_wait3A_126 : memref<!tpu.dma_semaphore, #tpu.memory_space<semaphore_mem>>) src(%arg9 : memref<80xf32, #tpu.memory_space<vmem>>) dst(%dma_wait3A_124 : memref<10240xf32, #tpu.memory_space<vmem_shared>>)
      %dma_wait3A_127 = arith.constant 2 : i32
      %dma_wait3A_128 = arith.constant 0 : i32
      %dma_wait3A_129 = tpu.memref_slice %arg7[%add3A_33, %dma_wait3A_128] : memref<125x80xi32, #tpu.memory_space<vmem>> -> memref<1x80xi32, #tpu.memory_space<vmem>>
      %dma_wait3A_130 = tpu.memref_squeeze %dma_wait3A_129 : memref<1x80xi32, #tpu.memory_space<vmem>> -> memref<80xi32, #tpu.memory_space<vmem>>
      %dma_wait3A_131 = arith.constant 0 : i32
      %dma_wait3A_132 = tpu.memref_slice %arg10[%dma_wait3A_131] : memref<10240xf32, #tpu.memory_space<vmem_shared>> -> memref<10240xf32, #tpu.memory_space<vmem_shared>>
      %dma_wait3A_133 = tpu.memref_slice %arg12[%dma_wait3A_127] : memref<10x!tpu.dma_semaphore, #tpu.memory_space<semaphore_mem>> -> memref<1x!tpu.dma_semaphore, #tpu.memory_space<semaphore_mem>>
      %dma_wait3A_134 = tpu.memref_squeeze %dma_wait3A_133 : memref<1x!tpu.dma_semaphore, #tpu.memory_space<semaphore_mem>> -> memref<!tpu.dma_semaphore, #tpu.memory_space<semaphore_mem>>
      tpu.wait_indirect_dma semaphore(%dma_wait3A_134 : memref<!tpu.dma_semaphore, #tpu.memory_space<semaphore_mem>>) src(%arg9 : memref<80xf32, #tpu.memory_space<vmem>>) dst(%dma_wait3A_132 : memref<10240xf32, #tpu.memory_space<vmem_shared>>)
      %dma_wait3A_135 = arith.constant 3 : i32
      %dma_wait3A_136 = arith.constant 0 : i32
      %dma_wait3A_137 = tpu.memref_slice %arg7[%add3A_43, %dma_wait3A_136] : memref<125x80xi32, #tpu.memory_space<vmem>> -> memref<1x80xi32, #tpu.memory_space<vmem>>
      %dma_wait3A_138 = tpu.memref_squeeze %dma_wait3A_137 : memref<1x80xi32, #tpu.memory_space<vmem>> -> memref<80xi32, #tpu.memory_space<vmem>>
      %dma_wait3A_139 = arith.constant 0 : i32
      %dma_wait3A_140 = tpu.memref_slice %arg10[%dma_wait3A_139] : memref<10240xf32, #tpu.memory_space<vmem_shared>> -> memref<10240xf32, #tpu.memory_space<vmem_shared>>
      %dma_wait3A_141 = tpu.memref_slice %arg12[%dma_wait3A_135] : memref<10x!tpu.dma_semaphore, #tpu.memory_space<semaphore_mem>> -> memref<1x!tpu.dma_semaphore, #tpu.memory_space<semaphore_mem>>
      %dma_wait3A_142 = tpu.memref_squeeze %dma_wait3A_141 : memref<1x!tpu.dma_semaphore, #tpu.memory_space<semaphore_mem>> -> memref<!tpu.dma_semaphore, #tpu.memory_space<semaphore_mem>>
      tpu.wait_indirect_dma semaphore(%dma_wait3A_142 : memref<!tpu.dma_semaphore, #tpu.memory_space<semaphore_mem>>) src(%arg9 : memref<80xf32, #tpu.memory_space<vmem>>) dst(%dma_wait3A_140 : memref<10240xf32, #tpu.memory_space<vmem_shared>>)
      %dma_wait3A_143 = arith.constant 4 : i32
      %dma_wait3A_144 = arith.constant 0 : i32
      %dma_wait3A_145 = tpu.memref_slice %arg7[%add3A_53, %dma_wait3A_144] : memref<125x80xi32, #tpu.memory_space<vmem>> -> memref<1x80xi32, #tpu.memory_space<vmem>>
      %dma_wait3A_146 = tpu.memref_squeeze %dma_wait3A_145 : memref<1x80xi32, #tpu.memory_space<vmem>> -> memref<80xi32, #tpu.memory_space<vmem>>
      %dma_wait3A_147 = arith.constant 0 : i32
      %dma_wait3A_148 = tpu.memref_slice %arg10[%dma_wait3A_147] : memref<10240xf32, #tpu.memory_space<vmem_shared>> -> memref<10240xf32, #tpu.memory_space<vmem_shared>>
      %dma_wait3A_149 = tpu.memref_slice %arg12[%dma_wait3A_143] : memref<10x!tpu.dma_semaphore, #tpu.memory_space<semaphore_mem>> -> memref<1x!tpu.dma_semaphore, #tpu.memory_space<semaphore_mem>>
      %dma_wait3A_150 = tpu.memref_squeeze %dma_wait3A_149 : memref<1x!tpu.dma_semaphore, #tpu.memory_space<semaphore_mem>> -> memref<!tpu.dma_semaphore, #tpu.memory_space<semaphore_mem>>
      tpu.wait_indirect_dma semaphore(%dma_wait3A_150 : memref<!tpu.dma_semaphore, #tpu.memory_space<semaphore_mem>>) src(%arg9 : memref<80xf32, #tpu.memory_space<vmem>>) dst(%dma_wait3A_148 : memref<10240xf32, #tpu.memory_space<vmem_shared>>)
      %dma_wait3A_151 = arith.constant 5 : i32
      %dma_wait3A_152 = arith.constant 0 : i32
      %dma_wait3A_153 = tpu.memref_slice %arg8[%add3A_63, %dma_wait3A_152] : memref<125x80xi32, #tpu.memory_space<vmem>> -> memref<1x80xi32, #tpu.memory_space<vmem>>
      %dma_wait3A_154 = tpu.memref_squeeze %dma_wait3A_153 : memref<1x80xi32, #tpu.memory_space<vmem>> -> memref<80xi32, #tpu.memory_space<vmem>>
      %dma_wait3A_155 = arith.constant 0 : i32
      %dma_wait3A_156 = tpu.memref_slice %arg11[%dma_wait3A_155] : memref<10240xf32, #tpu.memory_space<vmem_shared>> -> memref<10240xf32, #tpu.memory_space<vmem_shared>>
      %dma_wait3A_157 = tpu.memref_slice %arg12[%dma_wait3A_151] : memref<10x!tpu.dma_semaphore, #tpu.memory_space<semaphore_mem>> -> memref<1x!tpu.dma_semaphore, #tpu.memory_space<semaphore_mem>>
      %dma_wait3A_158 = tpu.memref_squeeze %dma_wait3A_157 : memref<1x!tpu.dma_semaphore, #tpu.memory_space<semaphore_mem>> -> memref<!tpu.dma_semaphore, #tpu.memory_space<semaphore_mem>>
      tpu.wait_indirect_dma semaphore(%dma_wait3A_158 : memref<!tpu.dma_semaphore, #tpu.memory_space<semaphore_mem>>) src(%arg9 : memref<80xf32, #tpu.memory_space<vmem>>) dst(%dma_wait3A_156 : memref<10240xf32, #tpu.memory_space<vmem_shared>>)
      %dma_wait3A_159 = arith.constant 6 : i32
      %dma_wait3A_160 = arith.constant 0 : i32
      %dma_wait3A_161 = tpu.memref_slice %arg8[%add3A_73, %dma_wait3A_160] : memref<125x80xi32, #tpu.memory_space<vmem>> -> memref<1x80xi32, #tpu.memory_space<vmem>>
      %dma_wait3A_162 = tpu.memref_squeeze %dma_wait3A_161 : memref<1x80xi32, #tpu.memory_space<vmem>> -> memref<80xi32, #tpu.memory_space<vmem>>
      %dma_wait3A_163 = arith.constant 0 : i32
      %dma_wait3A_164 = tpu.memref_slice %arg11[%dma_wait3A_163] : memref<10240xf32, #tpu.memory_space<vmem_shared>> -> memref<10240xf32, #tpu.memory_space<vmem_shared>>
      %dma_wait3A_165 = tpu.memref_slice %arg12[%dma_wait3A_159] : memref<10x!tpu.dma_semaphore, #tpu.memory_space<semaphore_mem>> -> memref<1x!tpu.dma_semaphore, #tpu.memory_space<semaphore_mem>>
      %dma_wait3A_166 = tpu.memref_squeeze %dma_wait3A_165 : memref<1x!tpu.dma_semaphore, #tpu.memory_space<semaphore_mem>> -> memref<!tpu.dma_semaphore, #tpu.memory_space<semaphore_mem>>
      tpu.wait_indirect_dma semaphore(%dma_wait3A_166 : memref<!tpu.dma_semaphore, #tpu.memory_space<semaphore_mem>>) src(%arg9 : memref<80xf32, #tpu.memory_space<vmem>>) dst(%dma_wait3A_164 : memref<10240xf32, #tpu.memory_space<vmem_shared>>)
      %dma_wait3A_167 = arith.constant 7 : i32
      %dma_wait3A_168 = arith.constant 0 : i32
      %dma_wait3A_169 = tpu.memref_slice %arg8[%add3A_83, %dma_wait3A_168] : memref<125x80xi32, #tpu.memory_space<vmem>> -> memref<1x80xi32, #tpu.memory_space<vmem>>
      %dma_wait3A_170 = tpu.memref_squeeze %dma_wait3A_169 : memref<1x80xi32, #tpu.memory_space<vmem>> -> memref<80xi32, #tpu.memory_space<vmem>>
      %dma_wait3A_171 = arith.constant 0 : i32
      %dma_wait3A_172 = tpu.memref_slice %arg11[%dma_wait3A_171] : memref<10240xf32, #tpu.memory_space<vmem_shared>> -> memref<10240xf32, #tpu.memory_space<vmem_shared>>
      %dma_wait3A_173 = tpu.memref_slice %arg12[%dma_wait3A_167] : memref<10x!tpu.dma_semaphore, #tpu.memory_space<semaphore_mem>> -> memref<1x!tpu.dma_semaphore, #tpu.memory_space<semaphore_mem>>
      %dma_wait3A_174 = tpu.memref_squeeze %dma_wait3A_173 : memref<1x!tpu.dma_semaphore, #tpu.memory_space<semaphore_mem>> -> memref<!tpu.dma_semaphore, #tpu.memory_space<semaphore_mem>>
      tpu.wait_indirect_dma semaphore(%dma_wait3A_174 : memref<!tpu.dma_semaphore, #tpu.memory_space<semaphore_mem>>) src(%arg9 : memref<80xf32, #tpu.memory_space<vmem>>) dst(%dma_wait3A_172 : memref<10240xf32, #tpu.memory_space<vmem_shared>>)
      %dma_wait3A_175 = arith.constant 8 : i32
      %dma_wait3A_176 = arith.constant 0 : i32
      %dma_wait3A_177 = tpu.memref_slice %arg8[%add3A_93, %dma_wait3A_176] : memref<125x80xi32, #tpu.memory_space<vmem>> -> memref<1x80xi32, #tpu.memory_space<vmem>>
      %dma_wait3A_178 = tpu.memref_squeeze %dma_wait3A_177 : memref<1x80xi32, #tpu.memory_space<vmem>> -> memref<80xi32, #tpu.memory_space<vmem>>
      %dma_wait3A_179 = arith.constant 0 : i32
      %dma_wait3A_180 = tpu.memref_slice %arg11[%dma_wait3A_179] : memref<10240xf32, #tpu.memory_space<vmem_shared>> -> memref<10240xf32, #tpu.memory_space<vmem_shared>>
      %dma_wait3A_181 = tpu.memref_slice %arg12[%dma_wait3A_175] : memref<10x!tpu.dma_semaphore, #tpu.memory_space<semaphore_mem>> -> memref<1x!tpu.dma_semaphore, #tpu.memory_space<semaphore_mem>>
      %dma_wait3A_182 = tpu.memref_squeeze %dma_wait3A_181 : memref<1x!tpu.dma_semaphore, #tpu.memory_space<semaphore_mem>> -> memref<!tpu.dma_semaphore, #tpu.memory_space<semaphore_mem>>
      tpu.wait_indirect_dma semaphore(%dma_wait3A_182 : memref<!tpu.dma_semaphore, #tpu.memory_space<semaphore_mem>>) src(%arg9 : memref<80xf32, #tpu.memory_space<vmem>>) dst(%dma_wait3A_180 : memref<10240xf32, #tpu.memory_space<vmem_shared>>)
      %dma_wait3A_183 = arith.constant 9 : i32
      %dma_wait3A_184 = arith.constant 0 : i32
      %dma_wait3A_185 = tpu.memref_slice %arg8[%add3A_103, %dma_wait3A_184] : memref<125x80xi32, #tpu.memory_space<vmem>> -> memref<1x80xi32, #tpu.memory_space<vmem>>
      %dma_wait3A_186 = tpu.memref_squeeze %dma_wait3A_185 : memref<1x80xi32, #tpu.memory_space<vmem>> -> memref<80xi32, #tpu.memory_space<vmem>>
      %dma_wait3A_187 = arith.constant 0 : i32
      %dma_wait3A_188 = tpu.memref_slice %arg11[%dma_wait3A_187] : memref<10240xf32, #tpu.memory_space<vmem_shared>> -> memref<10240xf32, #tpu.memory_space<vmem_shared>>
      %dma_wait3A_189 = tpu.memref_slice %arg12[%dma_wait3A_183] : memref<10x!tpu.dma_semaphore, #tpu.memory_space<semaphore_mem>> -> memref<1x!tpu.dma_semaphore, #tpu.memory_space<semaphore_mem>>
      %dma_wait3A_190 = tpu.memref_squeeze %dma_wait3A_189 : memref<1x!tpu.dma_semaphore, #tpu.memory_space<semaphore_mem>> -> memref<!tpu.dma_semaphore, #tpu.memory_space<semaphore_mem>>
      tpu.wait_indirect_dma semaphore(%dma_wait3A_190 : memref<!tpu.dma_semaphore, #tpu.memory_space<semaphore_mem>>) src(%arg9 : memref<80xf32, #tpu.memory_space<vmem>>) dst(%dma_wait3A_188 : memref<10240xf32, #tpu.memory_space<vmem_shared>>)
    }
    %scan3A_7 = arith.constant 25 : i32
    %barrier3A_8 = arith.constant 0 : index
    tpu.barrier barrier_id(%barrier3A_8)
    %run_scoped3A = arith.constant 0 : i32
    "tpu.region"() ({
      %run_scoped3A_10 = tpu.sem_alloc : memref<!tpu.dma_semaphore, #tpu.memory_space<semaphore_mem>>
      %dma_start3A = tpu.memref_slice %arg6[%arg0, %run_scoped3A, %mul3A_2] : memref<2x2x10240xf32, #tpu.memory_space<hbm>> -> memref<1x1x640xf32, #tpu.memory_space<hbm>>
      %dma_start3A_11 = tpu.memref_squeeze %dma_start3A : memref<1x1x640xf32, #tpu.memory_space<hbm>> -> memref<640xf32, #tpu.memory_space<hbm>>
      %dma_start3A_12 = tpu.memref_slice %arg10[%mul3A_2] : memref<10240xf32, #tpu.memory_space<vmem_shared>> -> memref<640xf32, #tpu.memory_space<vmem_shared>>
      tpu.enqueue_dma source(%dma_start3A_12 : memref<640xf32, #tpu.memory_space<vmem_shared>>) target(%dma_start3A_11 : memref<640xf32, #tpu.memory_space<hbm>>) target_semaphore(%run_scoped3A_10 : memref<!tpu.dma_semaphore, #tpu.memory_space<semaphore_mem>>)
      %dma_wait3A = tpu.memref_slice %arg6[%arg0, %run_scoped3A, %mul3A_2] : memref<2x2x10240xf32, #tpu.memory_space<hbm>> -> memref<1x1x640xf32, #tpu.memory_space<hbm>>
      %dma_wait3A_13 = tpu.memref_squeeze %dma_wait3A : memref<1x1x640xf32, #tpu.memory_space<hbm>> -> memref<640xf32, #tpu.memory_space<hbm>>
      %dma_wait3A_14 = tpu.memref_slice %arg10[%mul3A_2] : memref<10240xf32, #tpu.memory_space<vmem_shared>> -> memref<640xf32, #tpu.memory_space<vmem_shared>>
      tpu.wait_dma2 semaphore(%run_scoped3A_10 : memref<!tpu.dma_semaphore, #tpu.memory_space<semaphore_mem>>) src(%dma_wait3A_14 : memref<640xf32, #tpu.memory_space<vmem_shared>>) dst(%dma_wait3A_13 : memref<640xf32, #tpu.memory_space<hbm>>)
      tpu.yield
    }) : () -> ()
    %run_scoped3A_9 = arith.constant 1 : i32
    "tpu.region"() ({
      %run_scoped3A_10 = tpu.sem_alloc : memref<!tpu.dma_semaphore, #tpu.memory_space<semaphore_mem>>
      %dma_start3A = tpu.memref_slice %arg6[%arg0, %run_scoped3A_9, %mul3A_2] : memref<2x2x10240xf32, #tpu.memory_space<hbm>> -> memref<1x1x640xf32, #tpu.memory_space<hbm>>
      %dma_start3A_11 = tpu.memref_squeeze %dma_start3A : memref<1x1x640xf32, #tpu.memory_space<hbm>> -> memref<640xf32, #tpu.memory_space<hbm>>
      %dma_start3A_12 = tpu.memref_slice %arg11[%mul3A_2] : memref<10240xf32, #tpu.memory_space<vmem_shared>> -> memref<640xf32, #tpu.memory_space<vmem_shared>>
      tpu.enqueue_dma source(%dma_start3A_12 : memref<640xf32, #tpu.memory_space<vmem_shared>>) target(%dma_start3A_11 : memref<640xf32, #tpu.memory_space<hbm>>) target_semaphore(%run_scoped3A_10 : memref<!tpu.dma_semaphore, #tpu.memory_space<semaphore_mem>>)
      %dma_wait3A = tpu.memref_slice %arg6[%arg0, %run_scoped3A_9, %mul3A_2] : memref<2x2x10240xf32, #tpu.memory_space<hbm>> -> memref<1x1x640xf32, #tpu.memory_space<hbm>>
      %dma_wait3A_13 = tpu.memref_squeeze %dma_wait3A : memref<1x1x640xf32, #tpu.memory_space<hbm>> -> memref<640xf32, #tpu.memory_space<hbm>>
      %dma_wait3A_14 = tpu.memref_slice %arg11[%mul3A_2] : memref<10240xf32, #tpu.memory_space<vmem_shared>> -> memref<640xf32, #tpu.memory_space<vmem_shared>>
      tpu.wait_dma2 semaphore(%run_scoped3A_10 : memref<!tpu.dma_semaphore, #tpu.memory_space<semaphore_mem>>) src(%dma_wait3A_14 : memref<640xf32, #tpu.memory_space<vmem_shared>>) dst(%dma_wait3A_13 : memref<640xf32, #tpu.memory_space<hbm>>)
      tpu.yield
    }) : () -> ()
    return
  }
}

module attributes {stable_mosaic.version = 14 : i64} {
  func.func @_tc_u(%arg0: memref<10000x128xf32, #tpu.memory_space<vmem>>, %arg1: memref<128x64xf32, #tpu.memory_space<vmem>>, %arg2: memref<2x2x10240xf32, #tpu.memory_space<vmem>>, %arg3: memref<10000x64xbf16, #tpu.memory_space<vmem>>) attributes {dimension_semantics = [], scalar_prefetch = 0 : i64, scratch_operands = 0 : i64, tpu.core_type = #tpu.core_type<tc>} {
    %get3A = arith.constant 0 : index
    %get3A_0 = arith.constant 0 : index
    %get3A_1 = arith.constant 0 : index
    %get3A_2 = vector.load %arg2[%get3A, %get3A_0, %get3A_1] : memref<2x2x10240xf32, #tpu.memory_space<vmem>>, vector<2x2x10240xf32>
    %slice3A = vector.extract_strided_slice %get3A_2 {offsets = [0, 0, 0], sizes = [1, 1, 10240], strides = [1, 1, 1]} : vector<2x2x10240xf32> to vector<1x1x10240xf32>
    %squeeze3A = vector.shape_cast %slice3A : vector<1x1x10240xf32> to vector<10240xf32>
    %slice3A_3 = vector.extract_strided_slice %get3A_2 {offsets = [1, 0, 0], sizes = [1, 1, 10240], strides = [1, 1, 1]} : vector<2x2x10240xf32> to vector<1x1x10240xf32>
    %squeeze3A_4 = vector.shape_cast %slice3A_3 : vector<1x1x10240xf32> to vector<10240xf32>
    %add3A = arith.addf %squeeze3A, %squeeze3A_4 : vector<10240xf32>
    %slice3A_5 = vector.extract_strided_slice %add3A {offsets = [0], sizes = [10000], strides = [1]} : vector<10240xf32> to vector<10000xf32>
    %max3A = arith.constant 1.000000e+00 : f32
    %max3A_6 = vector.broadcast %max3A : f32 to vector<10000xf32>
    %max3A_7 = arith.maximumf %slice3A_5, %max3A_6 : vector<10000xf32>
    %rsqrt3A = math.rsqrt %max3A_7 : vector<10000xf32>
    %get3A_8 = arith.constant 0 : index
    %get3A_9 = arith.constant 0 : index
    %get3A_10 = vector.load %arg0[%get3A_8, %get3A_9] : memref<10000x128xf32, #tpu.memory_space<vmem>>, vector<10000x128xf32>
    %broadcast_in_dim3A = vector.shape_cast %rsqrt3A : vector<10000xf32> to vector<10000x1xf32>
    %mul3A = vector.broadcast %broadcast_in_dim3A : vector<10000x1xf32> to vector<10000x128xf32>
    %mul3A_11 = arith.mulf %get3A_10, %mul3A : vector<10000x128xf32>
    %get3A_12 = arith.constant 0 : index
    %get3A_13 = arith.constant 0 : index
    %get3A_14 = vector.load %arg1[%get3A_12, %get3A_13] : memref<128x64xf32, #tpu.memory_space<vmem>>, vector<128x64xf32>
    %dot_general3A = arith.constant dense<0.000000e+00> : vector<10000x64xf32>
    %dot_general3A_15 = tpu.matmul %mul3A_11, %get3A_14, %dot_general3A {dimension_numbers = #tpu.dot_dimension_numbers<[1], [0], [0], [1], [0, 0, 1, 1], [], []>, transpose_lhs_hint = false} : vector<10000x128xf32>, vector<128x64xf32>, vector<10000x64xf32> -> vector<10000x64xf32>
    %convert_element_type3A = arith.truncf %dot_general3A_15 : vector<10000x64xf32> to vector<10000x64xbf16>
    %swap3A = arith.constant 0 : index
    %swap3A_16 = arith.constant 0 : index
    %swap3A_17 = vector.load %arg3[%swap3A, %swap3A_16] : memref<10000x64xbf16, #tpu.memory_space<vmem>>, vector<10000x64xbf16>
    tpu.vector_store %arg3[%swap3A, %swap3A_16], %convert_element_type3A {strides = array<i32>} : memref<10000x64xbf16, #tpu.memory_space<vmem>>, vector<10000x64xbf16>,
    return
  }
}

module attributes {stable_mosaic.version = 14 : i64} {
  func.func @_tc_out(%arg0: memref<2x10000x64xbf16, #tpu.memory_space<vmem>>, %arg1: memref<2x2x10240xf32, #tpu.memory_space<vmem>>, %arg2: memref<1x64xf32, #tpu.memory_space<vmem>>, %arg3: memref<64x128xf32, #tpu.memory_space<vmem>>, %arg4: memref<1x128xf32, #tpu.memory_space<vmem>>, %arg5: memref<10000x128xf32, #tpu.memory_space<vmem>>) attributes {dimension_semantics = [], scalar_prefetch = 0 : i64, scratch_operands = 0 : i64, tpu.core_type = #tpu.core_type<tc>} {
    %get3A = arith.constant 0 : index
    %get3A_0 = arith.constant 0 : index
    %get3A_1 = arith.constant 0 : index
    %get3A_2 = vector.load %arg1[%get3A, %get3A_0, %get3A_1] : memref<2x2x10240xf32, #tpu.memory_space<vmem>>, vector<2x2x10240xf32>
    %slice3A = vector.extract_strided_slice %get3A_2 {offsets = [0, 1, 0], sizes = [1, 1, 10240], strides = [1, 1, 1]} : vector<2x2x10240xf32> to vector<1x1x10240xf32>
    %squeeze3A = vector.shape_cast %slice3A : vector<1x1x10240xf32> to vector<10240xf32>
    %slice3A_3 = vector.extract_strided_slice %get3A_2 {offsets = [1, 1, 0], sizes = [1, 1, 10240], strides = [1, 1, 1]} : vector<2x2x10240xf32> to vector<1x1x10240xf32>
    %squeeze3A_4 = vector.shape_cast %slice3A_3 : vector<1x1x10240xf32> to vector<10240xf32>
    %add3A = arith.addf %squeeze3A, %squeeze3A_4 : vector<10240xf32>
    %slice3A_5 = vector.extract_strided_slice %add3A {offsets = [0], sizes = [10000], strides = [1]} : vector<10240xf32> to vector<10000xf32>
    %max3A = arith.constant 1.000000e+00 : f32
    %max3A_6 = vector.broadcast %max3A : f32 to vector<10000xf32>
    %max3A_7 = arith.maximumf %slice3A_5, %max3A_6 : vector<10000xf32>
    %rsqrt3A = math.rsqrt %max3A_7 : vector<10000xf32>
    %get3A_8 = arith.constant 0 : index
    %get3A_9 = arith.constant 0 : index
    %get3A_10 = arith.constant 0 : index
    %get3A_11 = vector.load %arg0[%get3A_8, %get3A_9, %get3A_10] : memref<2x10000x64xbf16, #tpu.memory_space<vmem>>, vector<1x10000x64xbf16>
    %get3A_12 = vector.shape_cast %get3A_11 : vector<1x10000x64xbf16> to vector<10000x64xbf16>
    %convert_element_type3A = arith.extf %get3A_12 : vector<10000x64xbf16> to vector<10000x64xf32>
    %get3A_13 = arith.constant 1 : index
    %get3A_14 = arith.constant 0 : index
    %get3A_15 = arith.constant 0 : index
    %get3A_16 = vector.load %arg0[%get3A_13, %get3A_14, %get3A_15] : memref<2x10000x64xbf16, #tpu.memory_space<vmem>>, vector<1x10000x64xbf16>
    %get3A_17 = vector.shape_cast %get3A_16 : vector<1x10000x64xbf16> to vector<10000x64xbf16>
    %convert_element_type3A_18 = arith.extf %get3A_17 : vector<10000x64xbf16> to vector<10000x64xf32>
    %add3A_19 = arith.addf %convert_element_type3A, %convert_element_type3A_18 : vector<10000x64xf32>
    %broadcast_in_dim3A = vector.shape_cast %rsqrt3A : vector<10000xf32> to vector<10000x1xf32>
    %mul3A = vector.broadcast %broadcast_in_dim3A : vector<10000x1xf32> to vector<10000x64xf32>
    %mul3A_20 = arith.mulf %add3A_19, %mul3A : vector<10000x64xf32>
    %get3A_21 = arith.constant 0 : index
    %get3A_22 = arith.constant 0 : index
    %get3A_23 = vector.load %arg2[%get3A_21, %get3A_22] : memref<1x64xf32, #tpu.memory_space<vmem>>, vector<1x64xf32>
    %get3A_24 = vector.shape_cast %get3A_23 : vector<1x64xf32> to vector<64xf32>
    %broadcast_in_dim3A_25 = vector.shape_cast %get3A_24 : vector<64xf32> to vector<1x64xf32>
    %add3A_26 = vector.broadcast %broadcast_in_dim3A_25 : vector<1x64xf32> to vector<10000x64xf32>
    %add3A_27 = arith.addf %mul3A_20, %add3A_26 : vector<10000x64xf32>
    %max3A_28 = arith.constant 0.000000e+00 : f32
    %max3A_29 = vector.broadcast %max3A_28 : f32 to vector<10000x64xf32>
    %max3A_30 = arith.maximumf %add3A_27, %max3A_29 : vector<10000x64xf32>
    %get3A_31 = arith.constant 0 : index
    %get3A_32 = arith.constant 0 : index
    %get3A_33 = vector.load %arg3[%get3A_31, %get3A_32] : memref<64x128xf32, #tpu.memory_space<vmem>>, vector<64x128xf32>
    %dot_general3A = arith.constant dense<0.000000e+00> : vector<10000x128xf32>
    %dot_general3A_34 = tpu.matmul %max3A_30, %get3A_33, %dot_general3A {dimension_numbers = #tpu.dot_dimension_numbers<[1], [0], [0], [1], [0, 0, 1, 1], [], []>, transpose_lhs_hint = false} : vector<10000x64xf32>, vector<64x128xf32>, vector<10000x128xf32> -> vector<10000x128xf32>
    %get3A_35 = arith.constant 0 : index
    %get3A_36 = arith.constant 0 : index
    %get3A_37 = vector.load %arg4[%get3A_35, %get3A_36] : memref<1x128xf32, #tpu.memory_space<vmem>>, vector<1x128xf32>
    %get3A_38 = vector.shape_cast %get3A_37 : vector<1x128xf32> to vector<128xf32>
    %broadcast_in_dim3A_39 = vector.shape_cast %get3A_38 : vector<128xf32> to vector<1x128xf32>
    %add3A_40 = vector.broadcast %broadcast_in_dim3A_39 : vector<1x128xf32> to vector<10000x128xf32>
    %add3A_41 = arith.addf %dot_general3A_34, %add3A_40 : vector<10000x128xf32>
    %swap3A = arith.constant 0 : index
    %swap3A_42 = arith.constant 0 : index
    %swap3A_43 = vector.load %arg5[%swap3A, %swap3A_42] : memref<10000x128xf32, #tpu.memory_space<vmem>>, vector<10000x128xf32>
    tpu.vector_store %arg5[%swap3A, %swap3A_42], %add3A_41 {strides = array<i32>} : memref<10000x128xf32, #tpu.memory_space<vmem>>, vector<10000x128xf32>,
    return
  }
}

</mosaic_0001>

<sc_bundles>
// kernel: kernel.6.cloned.1.call-start
scs
__scs_entry_jumppad:
0x0: {  	(pc) =	sbr.rel $0x88, $3  }
0x1: {  	(tag) =	ssettag $0x0;
	lr =	simm.s32 $0x1  }
0x2: {  	[smem:$0x3F9B] =	sst lr;
	_ =	strace $0xD0000000  }
0x3: {  	_ = 	snop  }
0x4: {  	_ = 	snop  }
0x5: {  	_ = 	snop  }
0x6: {  	_ = 	snop  }
0x7: {  	_ = 	snop  }
__scs_overlays_trampoline_lowered:
0x8: {  	[smem:$0x3FAA] =	sst s0  }
0x9: {  	[smem:$0x3FAB] =	sst s1  }
0xa: {  	[smem:$0x3FAC] =	sst s2  }
0xb: {  	[smem:$0x3FAD] =	sst s3  }
0xc: {  	[smem:$0x3FAE] =	sst s4  }
0xd: {  	[smem:$0x3FAF] =	sst s5  }
0xe: {  	[smem:$0x3FB0] =	sst s6  }
0xf: {  	[smem:$0x3FB1] =	sst s7  }
0x10: {  	[smem:$0x3FB2] =	sst s8  }
0x11: {  	[smem:$0x3FB3] =	sst s9;
	s0 =	simm.s32 @!p0 $0x0  }
0x12: {  	s1 =	sld [smem:$0x3F99];
	s0 =	simm.s32 @p0 $0x1  }
0x13: {  	[smem:$0x3FB4] =	sst s0;
	s0 =	simm.s32 @!p1 $0x0  }
0x14: {  	s2 =	sld [smem:$0x3F98];
	s0 =	simm.s32 @p1 $0x1  }
0x15: {  	[smem:$0x3FB5] =	sst s0;
	s0 =	simm.s32 @!p2 $0x0  }
0x16: {  	s3 =	sld [smem:$0x3FDB];
	s0 =	simm.s32 @p2 $0x1  }
0x17: {  	s4 =	simm.s32 $0x1BF5;
	[smem:$0x3FB7] =	sst s0  }
0x18: {  	s0 =	sld [smem:$0x3F9A];
	_ =	swait.ge [sflag:s4], $0x0  }
0x19: {  	s7 =	sld [smem:$0x3F9B]  }
0x1a: {  	s8 =	sadd.s32 $0xFFFFE003, lr  }
0x1b: {  	s9 =	sadd.s32 $0xFFFFFEF7, lr;
	s5 =	simm.s32 $0xFFFFFFFF;
	p2 =	slt.u32 s8, $0xFFFFF086  }
0x1c: {  	p1 =	slt.u32 s9, $0xF7A;
	s5 =	simm.s32 @!p2 $0x0  }
0x1d: {  	s5 =	simm.s32 @p1 $0x1;
	p0 =	seq.s32 s7, s2  }
0x1e: {  	s7 =	smul.u32 @!p0 $0xF7A, s2;
	p2 =	seq.s32 @!p0 s5, $0x0  }
0x1f: {  	s9 =	smul.u32 $0xF7A, s1;
	s8 =	simm.s32 @!p0 $0x1BF5;
	p2 =	por !p2, p0  }
0x20: {  	[sflag:s8] =	ssyncset.s32 @!p0 $0xFFFFF086;
	s6 =	sadd.s32 @!p0 s3, s7;
	s7 =	simm.s32 @!p0 $0x108  }
0x21: {  	s3 =	sadd.s32 s3, s9;
	s6 =	sadd.s32 @!p0 $0x88, s6;
	s7 =	simm.s32 @p2 $0x1082  }
0x22: {  	[simem:s7], [sflag:s8] =	dma.local @!p0 [hbm:s6], $0xF7A  }
0x23: {  	s9 =	sor.u32 $0xD0000000, s2;
	s6 =	simm.s32 $0x108;
	_ =	swait.ge @!p0 [sflag:s8], $0x0  }
0x24: {  	s3 =	sadd.s32 $0x88, s3;
	s6 =	simm.s32 @!p1 $0x1082;
	[sflag:s4] =	ssyncset.s32 $0xFFFFF086  }
0x25: {  	[simem:s6], [sflag:s4] =	dma.local [hbm:s3], $0xF7A  }
0x26: {  	[smem:$0x3F9B] =	sst s1;
	(tag) =	ssettag s2;
	_ =	strace s9  }
0x27: {  	s1 =	sld [smem:$0x3FAB]  }
0x28: {  	s2 =	sld [smem:$0x3FAC]  }
0x29: {  	s4 =	sld [smem:$0x3FAE]  }
0x2a: {  	p0 =	seq.s32 s5, $0x0;
	s5 =	sld [smem:$0x3FAF]  }
0x2b: {  	s6 =	sld [smem:$0x3FB0]  }
0x2c: {  	s7 =	sld [smem:$0x3FB1]  }
0x2d: {  	s3 =	simm.s32 $0x108;
	s8 =	sld [smem:$0x3FB2]  }
0x2e: {  	s3 =	simm.s32 @!p0 $0x1082;
	s9 =	sld [smem:$0x3FB3]  }
0x2f: {  	lr =	sadd.s32 s0, s3;
	s0 =	sld [smem:$0x3FAA]  }
0x30: {  	s3 =	sld [smem:$0x3FAD]  }
0x31: {  	[smem:$0x3FB6] =	sst s10  }
0x32: {  	s10 =	sld [smem:$0x3FB4];
	_ =	sdelay $0x3  }
0x33: {  	p0 =	seq.s32 s10, $0x1;
	s10 =	sld [smem:$0x3FB6];
	_ =	sdelay $0x3  }
0x34: {  	[smem:$0x3FB6] =	sst s10  }
0x35: {  	s10 =	sld [smem:$0x3FB5];
	_ =	sdelay $0x3  }
0x36: {  	p1 =	seq.s32 s10, $0x1;
	s10 =	sld [smem:$0x3FB6];
	_ =	sdelay $0x3  }
0x37: {  	[smem:$0x3FB6] =	sst s10  }
0x38: {  	s10 =	sld [smem:$0x3FB7]  }
0x39: {  	_ = 	snop;
	(pc) =	sbr.ind lr, $3  }
0x3a: {  	_ = 	snop  }
0x3b: {  	_ = 	snop  }
0x3c: {  	p2 =	seq.s32 s10, $0x1;
	s10 =	sld [smem:$0x3FB6]  }
0x3d: {  	_ =	shalt  }
0x3e: {  	_ =	shalt  }
0x3f: {  	_ =	shalt  }
0x40: {  	_ =	shalt  }
0x41: {  	_ =	shalt  }
0x42: {  	_ =	shalt  }
0x43: {  	_ =	shalt  }
0x44: {  	_ =	shalt  }
0x45: {  	_ =	shalt  }
0x46: {  	_ =	shalt  }
0x47: {  	_ =	shalt  }
0x48: {  	_ =	shalt  }
0x49: {  	_ =	shalt  }
0x4a: {  	_ =	shalt  }
0x4b: {  	_ =	shalt  }
0x4c: {  	_ =	shalt  }
0x4d: {  	_ =	shalt  }
0x4e: {  	_ =	shalt  }
0x4f: {  	_ =	shalt  }
0x50: {  	_ =	shalt  }
0x51: {  	_ =	shalt  }
0x52: {  	_ =	shalt  }
0x53: {  	_ =	shalt  }
0x54: {  	_ =	shalt  }
0x55: {  	_ =	shalt  }
0x56: {  	_ =	shalt  }
0x57: {  	_ =	shalt  }
0x58: {  	_ =	shalt  }
0x59: {  	_ =	shalt  }
0x5a: {  	_ =	shalt  }
0x5b: {  	_ =	shalt  }
0x5c: {  	_ =	shalt  }
0x5d: {  	_ =	shalt  }
0x5e: {  	_ =	shalt  }
0x5f: {  	_ =	shalt  }
0x60: {  	_ =	shalt  }
0x61: {  	_ =	shalt  }
0x62: {  	_ =	shalt  }
0x63: {  	_ =	shalt  }
0x64: {  	_ =	shalt  }
0x65: {  	_ =	shalt  }
0x66: {  	_ =	shalt  }
0x67: {  	_ =	shalt  }
0x68: {  	_ =	shalt  }
0x69: {  	_ =	shalt  }
0x6a: {  	_ =	shalt  }
0x6b: {  	_ =	shalt  }
0x6c: {  	_ =	shalt  }
0x6d: {  	_ =	shalt  }
0x6e: {  	_ =	shalt  }
0x6f: {  	_ =	shalt  }
0x70: {  	_ =	shalt  }
0x71: {  	_ =	shalt  }
0x72: {  	_ =	shalt  }
0x73: {  	_ =	shalt  }
0x74: {  	_ =	shalt  }
0x75: {  	_ =	shalt  }
0x76: {  	_ =	shalt  }
0x77: {  	_ =	shalt  }
0x78: {  	_ =	shalt  }
0x79: {  	_ =	shalt  }
0x7a: {  	_ =	shalt  }
0x7b: {  	_ =	shalt  }
0x7c: {  	_ =	shalt  }
0x7d: {  	_ =	shalt  }
0x7e: {  	_ =	shalt  }
0x7f: {  	_ =	shalt  }
0x80: {  	_ =	shalt  }
0x81: {  	_ =	shalt  }
0x82: {  	_ =	shalt  }
0x83: {  	_ =	shalt  }
0x84: {  	_ =	shalt  }
0x85: {  	_ =	shalt  }
0x86: {  	_ =	shalt  }
0x87: {  	_ =	shalt  }
.Lfunc_end0:
.L_simem_size_0:
called_computation_lowered:
.L_overlay_start_0:
0x88: {  	s2 =	sld [smem:$0x3FD9]  }
0x89: {  	s3 =	sld [smem:$0x3FFE];
	_ =	sdelay $0x1  }
0x8a: {  	s1 =	srdreg.scid  }
0x8b: {  	s0 =	sand.u32 $0x1, s1  }
0x8c: {  	s17 =	sshll.u32 s0, $0xA;
	s2 =	sadd.s32 s3, s2  }
0x8d: {  	s2 =	sadd.s32 s2, s17  }
0x8e: {  	[smem:$0x3FC2] =	sst s2  }
0x8f: {  	_ = 	snop  }
0x90: {  	s2 =	sld [smem:$0x3FD0];
	(tm) =	ssettm $0x1  }
0x91: {  	s18 =	sld [smem:$0x3FFB];
	_ =	sdelay $0x3  }
0x92: {  	_ =	strace s18  }
0x93: {  	s3 =	sld [smem:$0x3FFC];
	_ =	sdelay $0x3  }
0x94: {  	_ =	strace s3  }
0x95: {  	s3 =	sld [smem:$0x3FFD];
	_ =	sdelay $0x3  }
0x96: {  	_ =	strace s3  }
0x97: {  	_ =	strace $0x8FFFFFFF  }
0x98: {  	s19 =	sld [smem:$0x3FDB];
	_ =	sdelay $0x1  }
0x99: {  	s4 =	simm.s32 $_scs_section_size  }
0x9a: {  	s5 =	simm.s32 $_size__tile_overlayer_lowered;
	s6 =	simm.s32 $_tile_overlayer_lowered  }
0x9b: {  	s22 =	simm.s32 $0x1BFF;
	s21 =	sshll.u32 s6, $0x1;
	s3 =	sadd.s32 s4, s19  }
0x9c: {  	s7 =	simm.s32 $0x0;
	s20 =	sshll.u32 s5, $0x1;
	s5 =	sadd.s32 s21, s3  }
0x9d: {  	[timem:s7], [sflag:s22] =	dma.local [hbm:s5], s20  }
0x9e: {  	_ =	swait.ge [sflag:s22], s20  }
0x9f: {  	s4 =	ssub.s32 $0x0, s20;
	[sflag:s22] =	ssyncset.done $0x0  }
0xa0: {  	[sflag:s22] =	ssyncadd.s32 s4;
	_ =	sdelay $0x1  }
0xa1: {  	s23 =	simm.s32 $0x1B8B  }
0xa2: {  	_ =	swait.ge [sflag:s23], $0x1  }
0xa3: {  	[sflag:s23] =	ssyncset.done $0x0  }
0xa4: {  	s25 =	simm.s32 $0x1B8E;
	s24 =	sld [smem:$0x3FFE];
	[sflag:s23] =	ssyncadd.s32 $0xFFFFFFFF  }
0xa5: {  	s26 =	simm.s32 $execute0_lowered;
	[smem:$0x3FD2] =	sst s25  }
0xa6: {  	s5 =	sshll.u32 s26, $0x1;
	_ =	strace $0x80000046;
	[dreg:$0x1] =	wrdreg $0xFFFFFFFF  }
0xa7: {  	s28 =	simm.s32 $_size_execute0_lowered;
	s3 =	sadd.s32 s3, s5;
	[dreg:$0x0] =	wrdreg $0x0  }
0xa8: {  	s5 =	sshll.u32 s28, $0x1;
	[dreg:$0x2] =	wrdreg s3  }
0xa9: {  	[dreg:$0x3] =	wrdreg s5  }
0xaa: {  	[dreg:$0x4] =	wrdreg $0xC0  }
0xab: {  	_ =	task [dreg:s7], $0x5FFFF  }
0xac: {  	[dreg:$0x1] =	wrdreg $0xFFFFFFFF  }
0xad: {  	[dreg:$0x0] =	wrdreg $0x60  }
0xae: {  	[dreg:$0x2] =	wrdreg s24  }
0xaf: {  	[dreg:$0x3] =	wrdreg s2  }
0xb0: {  	[dreg:$0x4] =	wrdreg $0x4E700  }
0xb1: {  	[dreg:$0x5] =	wrdreg $0x50F00  }
0xb2: {  	[dreg:$0x6] =	wrdreg $0x9  }
0xb3: {  	_ =	task.clear_ibuf [dreg:s7], $0x7FFFF;
	_ =	strace $0x90000046  }
0xb4: {  	s29 =	simm.s32 $0x9;
	_ =	strace $0x80000048  }
0xb5: {  	_ =	swait.ge [sflag:s29], $0x1  }
0xb6: {  	[sflag:s29] =	ssyncadd.s32 $0xFFFFFFFF  }
0xb7: {  	_ =	strace $0x90000048  }
0xb8: {  	_ =	sfence  }
0xb9: {  	s30 =	sld [smem:$0x0];
	_ =	sdelay $0x2  }
0xba: {  	s31 =	sshll.u32 s1, $0xD;
	s1 =	sshrl.u32 s1, $0x2  }
0xbb: {  	s3 =	sand.u32 $0x4000, s31;
	s1 =	sadd.s32 s1, s30  }
0xbc: {  	s0 =	sor.u32 s3, s0;
	s1 =	sshll.u32 s1, $0x11  }
0xbd: {  	s0 =	sor.u32 s1, s0  }
0xbe: {  	s0 =	sadd.s32 $0x8F2B, s0  }
0xbf: {  	[sflag:s0] =	ssyncadd.remote.s32 $0x1  }
0xc0: {  	_ =	sfence.sel $0xFFFF  }
0xc1: {  	[dreg:$0x0] =	wrdreg $0xFFFFFFFF;
	(pc) =	sbr.abs _section_cstart, $3  }
0xc2: {  	[dreg:$0x1] =	wrdreg $0xFFFFFFFF  }
0xc3: {  	_ =	task.clear_ibuf [dreg:s7], $0x2FFFF;
	_ =	strace $0x9FFFFFFF  }
0xc4: {  	(tm) =	ssettm $0x7FFFFFFF  }
0xc5: {  	_ =	shalt  }
tec
execute0_lowered:
.L_overlay_start_1:
0x0: {  	(tag) =	ssettag $0x1  }
0x1: {  	s0 =	rddreg [dreg:$0x0]  }
0x2: {  	s1 =	rddreg [dreg:$0x1];
	s3 =	srdreg.scid  }
0x3: {  	s12 =	stileid.u32;
	s2 =	rddreg [dreg:$0x2];
	s14 =	simm.s32 $0xB  }
0x4: {  	s16 =	simm.s32 $0x4E20;
	s18 =	simm.s32 $0x50;
	s19 =	simm.s32 $0x1  }
0x5: {  	s20 =	simm.s32 $0x2;
	s21 =	simm.s32 $0x3;
	s22 =	simm.s32 $0x4  }
0x6: {  	s23 =	simm.s32 $0x5;
	s28 =	simm.s32 $0x9;
	s29 =	simm.s32 $0xA  }
0x7: {  	s30 =	simm.s32 $0x0;
	s5 =	sand.u32 $0x1, s3;
	s4 =	sshll.u32 s12, $0x1  }
0x8: {  	s3 =	rddreg [dreg:$0x3];
	s8 =	smul.u32 $0x280, s12;
	s26 =	sshll.u32 s12, $0x6  }
0x9: {  	s6 =	sor.u32 s5, s4;
	s4 =	simm.s32 $0x0;
	s9 =	smul.u32 $0x5000, s5  }
0xa: {  	s7 =	ssub.s32 $0x2, s5;
	s5 =	sadd.s32 $0x14C00, s0;
	s6 =	smul.u32 $0x4E2, s6  }
0xb: {  	[smem:$0x7FF] =	sst s4;
	s11 =	sshrl.u32 s7, $0x1;
	s13 =	sadd.s32 s8, s2  }
0xc: {  	s15 =	sadd.s32 s8, s3;
	_ =	strace $0x80000047;
	s24 =	ssub.s32 s7, s11  }
0xd: {  	s25 =	sadd.s32 s8, s9;
	s7 =	sor.u32 $0x1C0B, s26;
	s13 =	sshrl.u32 s13, $0x3  }
0xe: {  	s15 =	sshrl.u32 s15, $0x3;
	s26 =	simm.s32 $0x8;
	s10 =	sadd.s32 s6, s0  }
0xf: {  	s6 =	sadd.s32 $0x14E00, s0;
	s31 =	sshrl.u32 s25, $0x3;
	s12 =	smax.u32 s24, $0x1  }
0x10: {  	s24 =	simm.s32 $0x6;
	s25 =	simm.s32 $0x7;
	s8 =	sadd.s32 s1, s31  }
0x11: {  	s9 =	sadd.s32 $0xAE00, s10;
	s10 =	sadd.s32 $0x1000, s10;
	s11 =	sadd.s32 $0x500, s8  }
.LBB2_1:
0x12: {  	[spmem:s13], [sflag:s7] =	dma.local [hbm:s6], $0x50  }
0x13: {  	_ =	swait.ge [sflag:s14], $0x50  }
0x14: {  	[sflag:s14] =	ssyncset.done $0x0  }
0x15: {  	[sflag:s14] =	ssyncadd.s32 $0xFFFFFFB0  }
0x16: {  	[spmem:s15], [sflag:s7] =	dma.local [hbm:s6], $0x50  }
0x17: {  	_ =	swait.ge [sflag:s14], $0x50  }
0x18: {  	[sflag:s14] =	ssyncset.done $0x0  }
0x19: {  	[sflag:s14] =	ssyncadd.s32 $0xFFFFFFB0  }
0x1a: {  	[tilespmem:s16], [sflag:$0xB] =	stream.linear.gather [hbm4b:s5+s4], $0x50, $0x38;
	[tilespmem:$0x5370] =	vst v63  }
0x1b: {  	_ =	swait.ge [sflag:s14], $0x50  }
0x1c: {  	[sflag:s14] =	ssyncset.done $0x0  }
0x1d: {  	[sflag:s14] =	ssyncadd.s32 $0xFFFFFFB0  }
0x1e: {  	[tilespmem:s4], [sflag:$0xB] =	stream.linear.gather [hbm4b:s9+s4], $0x2710, $0x38;
	[tilespmem:$0x5370] =	vst v63  }
0x1f: {  	_ =	swait.ge [sflag:s14], $0x2710  }
0x20: {  	[sflag:s14] =	ssyncset.done $0x0  }
0x21: {  	s0 =	simm.s32 $0x2710;
	[sflag:s14] =	ssyncadd.s32 $0xFFFFD8F0  }
0x22: {  	[tilespmem:s0], [sflag:$0xB] =	stream.linear.gather [hbm4b:s10+s4], $0x2710, $0x38;
	[tilespmem:$0x5370] =	vst v63  }
0x23: {  	_ =	swait.ge [sflag:s14], $0x2710  }
0x24: {  	[sflag:s14] =	ssyncset.done $0x0  }
0x25: {  	[sflag:s14] =	ssyncadd.s32 $0xFFFFD8F0  }
0x26: {  	s1 =	simm.s32 $0x0;
	[bflag:$0x0] =	sbarrier.arrive $0xFFFF  }
0x27: {  	[spmem:s2] =	stream.indirect.scatter.add.f32 [tilespmem:s16], [sflag:$0x1], $0x1, s1, s18, $0xb8;
	[tilespmem:$0x5370] =	vst v63  }
0x28: {  	s17 =	simm.s32 $0x50  }
0x29: {  	[spmem:s2] =	stream.indirect.scatter.add.f32 [tilespmem:s16], [sflag:$0x2], $0x1, s17, s18, $0xb8;
	[tilespmem:$0x5370] =	vst v63  }
0x2a: {  	s1 =	simm.s32 $0xA0  }
0x2b: {  	[spmem:s2] =	stream.indirect.scatter.add.f32 [tilespmem:s16], [sflag:$0x3], $0x1, s1, s18, $0xb8;
	[tilespmem:$0x5370] =	vst v63  }
0x2c: {  	s17 =	simm.s32 $0xF0  }
0x2d: {  	[spmem:s2] =	stream.indirect.scatter.add.f32 [tilespmem:s16], [sflag:$0x4], $0x1, s17, s18, $0xb8;
	[tilespmem:$0x5370] =	vst v63  }
0x2e: {  	s1 =	simm.s32 $0x140  }
0x2f: {  	[spmem:s2] =	stream.indirect.scatter.add.f32 [tilespmem:s16], [sflag:$0x5], $0x1, s1, s18, $0xb8;
	[tilespmem:$0x5370] =	vst v63  }
0x30: {  	s17 =	simm.s32 $0x2710  }
0x31: {  	[spmem:s3] =	stream.indirect.scatter.add.f32 [tilespmem:s16], [sflag:$0x6], $0x1, s17, s18, $0xb8;
	[tilespmem:$0x5370] =	vst v63  }
0x32: {  	s1 =	simm.s32 $0x2760  }
0x33: {  	[spmem:s3] =	stream.indirect.scatter.add.f32 [tilespmem:s16], [sflag:$0x7], $0x1, s1, s18, $0xb8;
	[tilespmem:$0x5370] =	vst v63  }
0x34: {  	s17 =	simm.s32 $0x27B0  }
0x35: {  	[spmem:s3] =	stream.indirect.scatter.add.f32 [tilespmem:s16], [sflag:$0x8], $0x1, s17, s18, $0xb8;
	[tilespmem:$0x5370] =	vst v63  }
0x36: {  	s1 =	simm.s32 $0x2800  }
0x37: {  	[spmem:s3] =	stream.indirect.scatter.add.f32 [tilespmem:s16], [sflag:$0x9], $0x1, s1, s18, $0xb8;
	[tilespmem:$0x5370] =	vst v63  }
0x38: {  	s17 =	simm.s32 $0x2850  }
0x39: {  	[spmem:s3] =	stream.indirect.scatter.add.f32 [tilespmem:s16], [sflag:$0xA], $0x1, s17, s18, $0xb8;
	[tilespmem:$0x5370] =	vst v63  }
0x3a: {  	_ =	swait.ge [sflag:s19], $0x50  }
0x3b: {  	[sflag:s19] =	ssyncset.done $0x0  }
0x3c: {  	[sflag:s19] =	ssyncadd.s32 $0xFFFFFFB0  }
0x3d: {  	_ =	swait.ge [sflag:s20], $0x50  }
0x3e: {  	[sflag:s20] =	ssyncset.done $0x0  }
0x3f: {  	[sflag:s20] =	ssyncadd.s32 $0xFFFFFFB0  }
0x40: {  	_ =	swait.ge [sflag:s21], $0x50  }
0x41: {  	[sflag:s21] =	ssyncset.done $0x0  }
0x42: {  	[sflag:s21] =	ssyncadd.s32 $0xFFFFFFB0  }
0x43: {  	_ =	swait.ge [sflag:s22], $0x50  }
0x44: {  	[sflag:s22] =	ssyncset.done $0x0  }
0x45: {  	[sflag:s22] =	ssyncadd.s32 $0xFFFFFFB0  }
0x46: {  	_ =	swait.ge [sflag:s23], $0x50  }
0x47: {  	[sflag:s23] =	ssyncset.done $0x0  }
0x48: {  	[sflag:s23] =	ssyncadd.s32 $0xFFFFFFB0  }
0x49: {  	_ =	swait.ge [sflag:s24], $0x50  }
0x4a: {  	[sflag:s24] =	ssyncset.done $0x0  }
0x4b: {  	[sflag:s24] =	ssyncadd.s32 $0xFFFFFFB0  }
0x4c: {  	_ =	swait.ge [sflag:s25], $0x50  }
0x4d: {  	[sflag:s25] =	ssyncset.done $0x0  }
0x4e: {  	[sflag:s25] =	ssyncadd.s32 $0xFFFFFFB0  }
0x4f: {  	_ =	swait.ge [sflag:s26], $0x50  }
0x50: {  	[sflag:s26] =	ssyncset.done $0x0  }
0x51: {  	[sflag:s26] =	ssyncadd.s32 $0xFFFFFFB0  }
0x52: {  	_ =	swait.ge [sflag:s28], $0x50  }
0x53: {  	[sflag:s28] =	ssyncset.done $0x0  }
0x54: {  	[sflag:s28] =	ssyncadd.s32 $0xFFFFFFB0  }
0x55: {  	_ =	swait.ge [sflag:s29], $0x50  }
0x56: {  	s31 =	simm.s32 $0x640;
	s1 =	simm.s32 $0xC80;
	[sflag:s29] =	ssyncset.done $0x0  }
.LBB2_2:
0x57: {  	s17 =	sshra.s32 s31, $0x2  }
0x58: {  	[sflag:s29] =	ssyncadd.s32 $0xFFFFFFB0;
	s31 =	smov.u32 s1;
	s0 =	sadd.s32 $0x640, s1  }
0x59: {  	[spmem:s2] =	stream.indirect.scatter.add.f32 [tilespmem:s16], [sflag:$0x1], $0x1, s17, s18, $0xb8;
	[tilespmem:$0x5370] =	vst v63  }
0x5a: {  	p0 =	sne.s32 s1, $0x9600;
	s1 =	sadd.s32 $0x50, s17  }
0x5b: {  	[spmem:s2] =	stream.indirect.scatter.add.f32 [tilespmem:s16], [sflag:$0x2], $0x1, s1, s18, $0xb8;
	[tilespmem:$0x5370] =	vst v63  }
0x5c: {  	s1 =	sadd.s32 $0xA0, s17  }
0x5d: {  	[spmem:s2] =	stream.indirect.scatter.add.f32 [tilespmem:s16], [sflag:$0x3], $0x1, s1, s18, $0xb8;
	[tilespmem:$0x5370] =	vst v63  }
0x5e: {  	s1 =	sadd.s32 $0xF0, s17  }
0x5f: {  	[spmem:s2] =	stream.indirect.scatter.add.f32 [tilespmem:s16], [sflag:$0x4], $0x1, s1, s18, $0xb8;
	[tilespmem:$0x5370] =	vst v63  }
0x60: {  	s1 =	sadd.s32 $0x140, s17  }
0x61: {  	[spmem:s2] =	stream.indirect.scatter.add.f32 [tilespmem:s16], [sflag:$0x5], $0x1, s1, s18, $0xb8;
	[tilespmem:$0x5370] =	vst v63  }
0x62: {  	s1 =	sadd.s32 $0x2710, s17  }
0x63: {  	[spmem:s3] =	stream.indirect.scatter.add.f32 [tilespmem:s16], [sflag:$0x6], $0x1, s1, s18, $0xb8;
	[tilespmem:$0x5370] =	vst v63  }
0x64: {  	s1 =	sadd.s32 $0x2760, s17  }
0x65: {  	[spmem:s3] =	stream.indirect.scatter.add.f32 [tilespmem:s16], [sflag:$0x7], $0x1, s1, s18, $0xb8;
	[tilespmem:$0x5370] =	vst v63  }
0x66: {  	s1 =	sadd.s32 $0x27B0, s17  }
0x67: {  	[spmem:s3] =	stream.indirect.scatter.add.f32 [tilespmem:s16], [sflag:$0x8], $0x1, s1, s18, $0xb8;
	[tilespmem:$0x5370] =	vst v63  }
0x68: {  	s1 =	sadd.s32 $0x2800, s17  }
0x69: {  	[spmem:s3] =	stream.indirect.scatter.add.f32 [tilespmem:s16], [sflag:$0x9], $0x1, s1, s18, $0xb8;
	[tilespmem:$0x5370] =	vst v63  }
0x6a: {  	s1 =	sadd.s32 $0x2850, s17  }
0x6b: {  	[spmem:s3] =	stream.indirect.scatter.add.f32 [tilespmem:s16], [sflag:$0xA], $0x1, s1, s18, $0xb8;
	[tilespmem:$0x5370] =	vst v63  }
0x6c: {  	_ =	swait.ge [sflag:s19], $0x50  }
0x6d: {  	[sflag:s19] =	ssyncset.done $0x0  }
0x6e: {  	[sflag:s19] =	ssyncadd.s32 $0xFFFFFFB0  }
0x6f: {  	_ =	swait.ge [sflag:s20], $0x50  }
0x70: {  	[sflag:s20] =	ssyncset.done $0x0  }
0x71: {  	[sflag:s20] =	ssyncadd.s32 $0xFFFFFFB0  }
0x72: {  	_ =	swait.ge [sflag:s21], $0x50  }
0x73: {  	[sflag:s21] =	ssyncset.done $0x0  }
0x74: {  	[sflag:s21] =	ssyncadd.s32 $0xFFFFFFB0  }
0x75: {  	_ =	swait.ge [sflag:s22], $0x50  }
0x76: {  	[sflag:s22] =	ssyncset.done $0x0  }
0x77: {  	[sflag:s22] =	ssyncadd.s32 $0xFFFFFFB0  }
0x78: {  	_ =	swait.ge [sflag:s23], $0x50  }
0x79: {  	[sflag:s23] =	ssyncset.done $0x0  }
0x7a: {  	[sflag:s23] =	ssyncadd.s32 $0xFFFFFFB0  }
0x7b: {  	_ =	swait.ge [sflag:s24], $0x50  }
0x7c: {  	[sflag:s24] =	ssyncset.done $0x0  }
0x7d: {  	[sflag:s24] =	ssyncadd.s32 $0xFFFFFFB0  }
0x7e: {  	_ =	swait.ge [sflag:s25], $0x50  }
0x7f: {  	[sflag:s25] =	ssyncset.done $0x0  }
0x80: {  	[sflag:s25] =	ssyncadd.s32 $0xFFFFFFB0  }
0x81: {  	_ =	swait.ge [sflag:s26], $0x50  }
0x82: {  	[sflag:s26] =	ssyncset.done $0x0  }
0x83: {  	[sflag:s26] =	ssyncadd.s32 $0xFFFFFFB0  }
.Ltmp0:
0x84: {  	_ =	swait.ge [sflag:s28], $0x50;
	(pc) =	sbr.rel @p0 .LBB2_2-.Ltmp0, $4  }
0x85: {  	[sflag:s28] =	ssyncset.done $0x0  }
0x86: {  	[sflag:s28] =	ssyncadd.s32 $0xFFFFFFB0  }
0x87: {  	_ =	swait.ge [sflag:s29], $0x50  }
0x88: {  	s1 =	smov.u32 s0;
	[sflag:s29] =	ssyncset.done $0x0  }
0x89: {  	s0 =	sshra.s32 s31, $0x2;
	[sflag:s29] =	ssyncadd.s32 $0xFFFFFFB0  }
0x8a: {  	[spmem:s2] =	stream.indirect.scatter.add.f32 [tilespmem:s16], [sflag:$0x1], $0x1, s0, s18, $0xb8;
	[tilespmem:$0x5370] =	vst v63  }
0x8b: {  	s1 =	sadd.s32 $0x50, s0  }
0x8c: {  	[spmem:s2] =	stream.indirect.scatter.add.f32 [tilespmem:s16], [sflag:$0x2], $0x1, s1, s18, $0xb8;
	[tilespmem:$0x5370] =	vst v63  }
0x8d: {  	s31 =	sadd.s32 $0xA0, s0  }
0x8e: {  	[spmem:s2] =	stream.indirect.scatter.add.f32 [tilespmem:s16], [sflag:$0x3], $0x1, s31, s18, $0xb8;
	[tilespmem:$0x5370] =	vst v63  }
0x8f: {  	s17 =	sadd.s32 $0xF0, s0  }
0x90: {  	[spmem:s2] =	stream.indirect.scatter.add.f32 [tilespmem:s16], [sflag:$0x4], $0x1, s17, s18, $0xb8;
	[tilespmem:$0x5370] =	vst v63  }
0x91: {  	s31 =	sadd.s32 $0x140, s0  }
0x92: {  	[spmem:s2] =	stream.indirect.scatter.add.f32 [tilespmem:s16], [sflag:$0x5], $0x1, s31, s18, $0xb8;
	[tilespmem:$0x5370] =	vst v63  }
0x93: {  	s17 =	sadd.s32 $0x2710, s0  }
0x94: {  	[spmem:s3] =	stream.indirect.scatter.add.f32 [tilespmem:s16], [sflag:$0x6], $0x1, s17, s18, $0xb8;
	[tilespmem:$0x5370] =	vst v63  }
0x95: {  	s31 =	sadd.s32 $0x2760, s0  }
0x96: {  	[spmem:s3] =	stream.indirect.scatter.add.f32 [tilespmem:s16], [sflag:$0x7], $0x1, s31, s18, $0xb8;
	[tilespmem:$0x5370] =	vst v63  }
0x97: {  	s17 =	sadd.s32 $0x27B0, s0  }
0x98: {  	[spmem:s3] =	stream.indirect.scatter.add.f32 [tilespmem:s16], [sflag:$0x8], $0x1, s17, s18, $0xb8;
	[tilespmem:$0x5370] =	vst v63  }
0x99: {  	s31 =	sadd.s32 $0x2800, s0  }
0x9a: {  	[spmem:s3] =	stream.indirect.scatter.add.f32 [tilespmem:s16], [sflag:$0x9], $0x1, s31, s18, $0xb8;
	[tilespmem:$0x5370] =	vst v63  }
0x9b: {  	s0 =	sadd.s32 $0x2850, s0  }
0x9c: {  	[spmem:s3] =	stream.indirect.scatter.add.f32 [tilespmem:s16], [sflag:$0xA], $0x1, s0, s18, $0xb8;
	[tilespmem:$0x5370] =	vst v63  }
0x9d: {  	_ =	swait.ge [sflag:s19], $0x50  }
0x9e: {  	[sflag:s19] =	ssyncset.done $0x0  }
0x9f: {  	[sflag:s19] =	ssyncadd.s32 $0xFFFFFFB0  }
0xa0: {  	_ =	swait.ge [sflag:s20], $0x50  }
0xa1: {  	[sflag:s20] =	ssyncset.done $0x0  }
0xa2: {  	[sflag:s20] =	ssyncadd.s32 $0xFFFFFFB0  }
0xa3: {  	_ =	swait.ge [sflag:s21], $0x50  }
0xa4: {  	[sflag:s21] =	ssyncset.done $0x0  }
0xa5: {  	[sflag:s21] =	ssyncadd.s32 $0xFFFFFFB0  }
0xa6: {  	_ =	swait.ge [sflag:s22], $0x50  }
0xa7: {  	[sflag:s22] =	ssyncset.done $0x0  }
0xa8: {  	[sflag:s22] =	ssyncadd.s32 $0xFFFFFFB0  }
0xa9: {  	_ =	swait.ge [sflag:s23], $0x50  }
0xaa: {  	[sflag:s23] =	ssyncset.done $0x0  }
0xab: {  	[sflag:s23] =	ssyncadd.s32 $0xFFFFFFB0  }
0xac: {  	_ =	swait.ge [sflag:s24], $0x50  }
0xad: {  	[sflag:s24] =	ssyncset.done $0x0  }
0xae: {  	[sflag:s24] =	ssyncadd.s32 $0xFFFFFFB0  }
0xaf: {  	_ =	swait.ge [sflag:s25], $0x50  }
0xb0: {  	[sflag:s25] =	ssyncset.done $0x0  }
0xb1: {  	[sflag:s25] =	ssyncadd.s32 $0xFFFFFFB0  }
0xb2: {  	_ =	swait.ge [sflag:s26], $0x50  }
0xb3: {  	[sflag:s26] =	ssyncset.done $0x0  }
0xb4: {  	[sflag:s26] =	ssyncadd.s32 $0xFFFFFFB0  }
0xb5: {  	_ =	swait.ge [sflag:s28], $0x50  }
0xb6: {  	[sflag:s28] =	ssyncset.done $0x0  }
0xb7: {  	[sflag:s28] =	ssyncadd.s32 $0xFFFFFFB0  }
0xb8: {  	_ =	swait.ge [sflag:s29], $0x50  }
0xb9: {  	[sflag:s29] =	ssyncset.done $0x0  }
0xba: {  	[sflag:s29] =	ssyncadd.s32 $0xFFFFFFB0  }
0xbb: {  	[bflag:$0x0] =	sbarrier.arrive $0xFFFF  }
0xbc: {  	[hbm:s8], [sflag:s7] =	dma.local [spmem:s13], $0x50  }
0xbd: {  	s30 =	sadd.s32 $0x1, s30;
	_ =	swait.ge [sflag:s14], $0x50  }
0xbe: {  	p0 =	sne.s32 s30, s12;
	[sflag:s14] =	ssyncset.done $0x0  }
.Ltmp1:
0xbf: {  	[sflag:s14] =	ssyncadd.s32 $0xFFFFFFB0;
	(pc) =	sbr.rel @p0 .LBB2_1-.Ltmp1, $4  }
0xc0: {  	[hbm:s11], [sflag:s7] =	dma.local [spmem:s15], $0x50  }
0xc1: {  	_ =	swait.ge [sflag:s14], $0x50  }
0xc2: {  	[sflag:s14] =	ssyncset.done $0x0  }
0xc3: {  	[sflag:s14] =	ssyncadd.s32 $0xFFFFFFB0  }
0xc4: {  	_ =	sfence.sel $0x180000  }
0xc5: {  	[bflag:$0x0] =	sbarrier.arrive $0xFFFF  }
0xc6: {  	_ =	strace $0x90000047  }
0xc7: {  	s0 =	stileid.u32;
	[bflag:$0x2] =	sbarrier.arrive $0xFFFF  }
0xc8: {  	p0 =	sne.s32 s0, $0x0;
	s0 =	rddreg [dreg:$0x4]  }
0xc9: {  	s0 =	sadd.s32 @!p0 $0x100000, s0  }
0xca: {  	[sflag:s0] =	ssyncadd.tile.s32 @!p0 $0x1;
	_ =	shalt  }
.Lfunc_end2:
_tile_overlayer_lowered:
.L_overlay_start_2:
0xcb: {  	(tag) =	ssettag $0x2  }
0xcc: {  	s0 =	rddreg [dreg:$0x0];
	s2 =	stileid.u32  }
0xcd: {  	s1 =	rddreg [dreg:$0x1];
	p0 =	sne.s32 s2, $0x0  }
0xce: {  	s3 =	rddreg [dreg:$0x2];
	[bflag:$0x3] =	sbarrier.arrive $0xFFFF;
	s2 =	simm.s32 @!p0 $0x1C0B  }
0xcf: {  	[timem:s3], [sflag:s2] =	dma.local @!p0 [hbm:s0], s1  }
0xd0: {  	s0 =	simm.s32 @!p0 $0xB  }
0xd1: {  	_ =	swait.ge @!p0 [sflag:s0], s1  }
0xd2: {  	s1 =	ssub.s32 @!p0 $0x0, s1;
	[sflag:s0] =	ssyncset.done @!p0 $0x0  }
0xd3: {  	[sflag:s0] =	ssyncadd.s32 @!p0 s1  }
0xd4: {  	[bflag:$0x3] =	sbarrier.arrive $0xFFFF  }
0xd5: {  	_ =	shalt  }

// kernel: kernel.9.cloned.1.call-start
scs
__scs_entry_jumppad:
0x0: {  	(pc) =	sbr.rel $0x88, $3  }
0x1: {  	(tag) =	ssettag $0x0;
	lr =	simm.s32 $0x1  }
0x2: {  	[smem:$0x3F9B] =	sst lr;
	_ =	strace $0xD0000000  }
0x3: {  	_ = 	snop  }
0x4: {  	_ = 	snop  }
0x5: {  	_ = 	snop  }
0x6: {  	_ = 	snop  }
0x7: {  	_ = 	snop  }
__scs_overlays_trampoline_lowered:
0x8: {  	[smem:$0x3FAA] =	sst s0  }
0x9: {  	[smem:$0x3FAB] =	sst s1  }
0xa: {  	[smem:$0x3FAC] =	sst s2  }
0xb: {  	[smem:$0x3FAD] =	sst s3  }
0xc: {  	[smem:$0x3FAE] =	sst s4  }
0xd: {  	[smem:$0x3FAF] =	sst s5  }
0xe: {  	[smem:$0x3FB0] =	sst s6  }
0xf: {  	[smem:$0x3FB1] =	sst s7  }
0x10: {  	[smem:$0x3FB2] =	sst s8  }
0x11: {  	[smem:$0x3FB3] =	sst s9;
	s0 =	simm.s32 @!p0 $0x0  }
0x12: {  	s1 =	sld [smem:$0x3F99];
	s0 =	simm.s32 @p0 $0x1  }
0x13: {  	[smem:$0x3FB4] =	sst s0;
	s0 =	simm.s32 @!p1 $0x0  }
0x14: {  	s2 =	sld [smem:$0x3F98];
	s0 =	simm.s32 @p1 $0x1  }
0x15: {  	[smem:$0x3FB5] =	sst s0;
	s0 =	simm.s32 @!p2 $0x0  }
0x16: {  	s3 =	sld [smem:$0x3FDB];
	s0 =	simm.s32 @p2 $0x1  }
0x17: {  	s4 =	simm.s32 $0x1BF5;
	[smem:$0x3FB7] =	sst s0  }
0x18: {  	s0 =	sld [smem:$0x3F9A];
	_ =	swait.ge [sflag:s4], $0x0  }
0x19: {  	s7 =	sld [smem:$0x3F9B]  }
0x1a: {  	s8 =	sadd.s32 $0xFFFFE003, lr  }
0x1b: {  	s9 =	sadd.s32 $0xFFFFFEF7, lr;
	s5 =	simm.s32 $0xFFFFFFFF;
	p2 =	slt.u32 s8, $0xFFFFF086  }
0x1c: {  	p1 =	slt.u32 s9, $0xF7A;
	s5 =	simm.s32 @!p2 $0x0  }
0x1d: {  	s5 =	simm.s32 @p1 $0x1;
	p0 =	seq.s32 s7, s2  }
0x1e: {  	s7 =	smul.u32 @!p0 $0xF7A, s2;
	p2 =	seq.s32 @!p0 s5, $0x0  }
0x1f: {  	s9 =	smul.u32 $0xF7A, s1;
	s8 =	simm.s32 @!p0 $0x1BF5;
	p2 =	por !p2, p0  }
0x20: {  	[sflag:s8] =	ssyncset.s32 @!p0 $0xFFFFF086;
	s6 =	sadd.s32 @!p0 s3, s7;
	s7 =	simm.s32 @!p0 $0x108  }
0x21: {  	s3 =	sadd.s32 s3, s9;
	s6 =	sadd.s32 @!p0 $0x88, s6;
	s7 =	simm.s32 @p2 $0x1082  }
0x22: {  	[simem:s7], [sflag:s8] =	dma.local @!p0 [hbm:s6], $0xF7A  }
0x23: {  	s9 =	sor.u32 $0xD0000000, s2;
	s6 =	simm.s32 $0x108;
	_ =	swait.ge @!p0 [sflag:s8], $0x0  }
0x24: {  	s3 =	sadd.s32 $0x88, s3;
	s6 =	simm.s32 @!p1 $0x1082;
	[sflag:s4] =	ssyncset.s32 $0xFFFFF086  }
0x25: {  	[simem:s6], [sflag:s4] =	dma.local [hbm:s3], $0xF7A  }
0x26: {  	[smem:$0x3F9B] =	sst s1;
	(tag) =	ssettag s2;
	_ =	strace s9  }
0x27: {  	s1 =	sld [smem:$0x3FAB]  }
0x28: {  	s2 =	sld [smem:$0x3FAC]  }
0x29: {  	s4 =	sld [smem:$0x3FAE]  }
0x2a: {  	p0 =	seq.s32 s5, $0x0;
	s5 =	sld [smem:$0x3FAF]  }
0x2b: {  	s6 =	sld [smem:$0x3FB0]  }
0x2c: {  	s7 =	sld [smem:$0x3FB1]  }
0x2d: {  	s3 =	simm.s32 $0x108;
	s8 =	sld [smem:$0x3FB2]  }
0x2e: {  	s3 =	simm.s32 @!p0 $0x1082;
	s9 =	sld [smem:$0x3FB3]  }
0x2f: {  	lr =	sadd.s32 s0, s3;
	s0 =	sld [smem:$0x3FAA]  }
0x30: {  	s3 =	sld [smem:$0x3FAD]  }
0x31: {  	[smem:$0x3FB6] =	sst s10  }
0x32: {  	s10 =	sld [smem:$0x3FB4];
	_ =	sdelay $0x3  }
0x33: {  	p0 =	seq.s32 s10, $0x1;
	s10 =	sld [smem:$0x3FB6];
	_ =	sdelay $0x3  }
0x34: {  	[smem:$0x3FB6] =	sst s10  }
0x35: {  	s10 =	sld [smem:$0x3FB5];
	_ =	sdelay $0x3  }
0x36: {  	p1 =	seq.s32 s10, $0x1;
	s10 =	sld [smem:$0x3FB6];
	_ =	sdelay $0x3  }
0x37: {  	[smem:$0x3FB6] =	sst s10  }
0x38: {  	s10 =	sld [smem:$0x3FB7]  }
0x39: {  	_ = 	snop;
	(pc) =	sbr.ind lr, $3  }
0x3a: {  	_ = 	snop  }
0x3b: {  	_ = 	snop  }
0x3c: {  	p2 =	seq.s32 s10, $0x1;
	s10 =	sld [smem:$0x3FB6]  }
0x3d: {  	_ =	shalt  }
0x3e: {  	_ =	shalt  }
0x3f: {  	_ =	shalt  }
0x40: {  	_ =	shalt  }
0x41: {  	_ =	shalt  }
0x42: {  	_ =	shalt  }
0x43: {  	_ =	shalt  }
0x44: {  	_ =	shalt  }
0x45: {  	_ =	shalt  }
0x46: {  	_ =	shalt  }
0x47: {  	_ =	shalt  }
0x48: {  	_ =	shalt  }
0x49: {  	_ =	shalt  }
0x4a: {  	_ =	shalt  }
0x4b: {  	_ =	shalt  }
0x4c: {  	_ =	shalt  }
0x4d: {  	_ =	shalt  }
0x4e: {  	_ =	shalt  }
0x4f: {  	_ =	shalt  }
0x50: {  	_ =	shalt  }
0x51: {  	_ =	shalt  }
0x52: {  	_ =	shalt  }
0x53: {  	_ =	shalt  }
0x54: {  	_ =	shalt  }
0x55: {  	_ =	shalt  }
0x56: {  	_ =	shalt  }
0x57: {  	_ =	shalt  }
0x58: {  	_ =	shalt  }
0x59: {  	_ =	shalt  }
0x5a: {  	_ =	shalt  }
0x5b: {  	_ =	shalt  }
0x5c: {  	_ =	shalt  }
0x5d: {  	_ =	shalt  }
0x5e: {  	_ =	shalt  }
0x5f: {  	_ =	shalt  }
0x60: {  	_ =	shalt  }
0x61: {  	_ =	shalt  }
0x62: {  	_ =	shalt  }
0x63: {  	_ =	shalt  }
0x64: {  	_ =	shalt  }
0x65: {  	_ =	shalt  }
0x66: {  	_ =	shalt  }
0x67: {  	_ =	shalt  }
0x68: {  	_ =	shalt  }
0x69: {  	_ =	shalt  }
0x6a: {  	_ =	shalt  }
0x6b: {  	_ =	shalt  }
0x6c: {  	_ =	shalt  }
0x6d: {  	_ =	shalt  }
0x6e: {  	_ =	shalt  }
0x6f: {  	_ =	shalt  }
0x70: {  	_ =	shalt  }
0x71: {  	_ =	shalt  }
0x72: {  	_ =	shalt  }
0x73: {  	_ =	shalt  }
0x74: {  	_ =	shalt  }
0x75: {  	_ =	shalt  }
0x76: {  	_ =	shalt  }
0x77: {  	_ =	shalt  }
0x78: {  	_ =	shalt  }
0x79: {  	_ =	shalt  }
0x7a: {  	_ =	shalt  }
0x7b: {  	_ =	shalt  }
0x7c: {  	_ =	shalt  }
0x7d: {  	_ =	shalt  }
0x7e: {  	_ =	shalt  }
0x7f: {  	_ =	shalt  }
0x80: {  	_ =	shalt  }
0x81: {  	_ =	shalt  }
0x82: {  	_ =	shalt  }
0x83: {  	_ =	shalt  }
0x84: {  	_ =	shalt  }
0x85: {  	_ =	shalt  }
0x86: {  	_ =	shalt  }
0x87: {  	_ =	shalt  }
.Lfunc_end0:
.L_simem_size_0:
called_computation.1_lowered:
.L_overlay_start_0:
0x88: {  	s2 =	sld [smem:$0x3FD9]  }
0x89: {  	s3 =	sld [smem:$0x3FFE];
	_ =	sdelay $0x1  }
0x8a: {  	s1 =	srdreg.scid  }
0x8b: {  	s0 =	sand.u32 $0x1, s1  }
0x8c: {  	s17 =	sshll.u32 s0, $0xA;
	s2 =	sadd.s32 s3, s2  }
0x8d: {  	s2 =	sadd.s32 s2, s17  }
0x8e: {  	[smem:$0x3FC2] =	sst s2  }
0x8f: {  	_ = 	snop  }
0x90: {  	s2 =	sld [smem:$0x3FD0];
	(tm) =	ssettm $0x1  }
0x91: {  	s18 =	sld [smem:$0x3FFB];
	_ =	sdelay $0x3  }
0x92: {  	_ =	strace s18  }
0x93: {  	s3 =	sld [smem:$0x3FFC];
	_ =	sdelay $0x3  }
0x94: {  	_ =	strace s3  }
0x95: {  	s3 =	sld [smem:$0x3FFD];
	_ =	sdelay $0x3  }
0x96: {  	_ =	strace s3  }
0x97: {  	_ =	strace $0x8FFFFFFF  }
0x98: {  	s19 =	sld [smem:$0x3FDB];
	_ =	sdelay $0x1  }
0x99: {  	s4 =	simm.s32 $_scs_section_size  }
0x9a: {  	s5 =	simm.s32 $_size__tile_overlayer_lowered;
	s6 =	simm.s32 $_tile_overlayer_lowered  }
0x9b: {  	s22 =	simm.s32 $0x1BFF;
	s21 =	sshll.u32 s6, $0x1;
	s3 =	sadd.s32 s4, s19  }
0x9c: {  	s7 =	simm.s32 $0x0;
	s20 =	sshll.u32 s5, $0x1;
	s5 =	sadd.s32 s21, s3  }
0x9d: {  	[timem:s7], [sflag:s22] =	dma.local [hbm:s5], s20  }
0x9e: {  	_ =	swait.ge [sflag:s22], s20  }
0x9f: {  	s4 =	ssub.s32 $0x0, s20;
	[sflag:s22] =	ssyncset.done $0x0  }
0xa0: {  	[sflag:s22] =	ssyncadd.s32 s4;
	_ =	sdelay $0x1  }
0xa1: {  	s23 =	simm.s32 $0x1B8B  }
0xa2: {  	_ =	swait.ge [sflag:s23], $0x1  }
0xa3: {  	[sflag:s23] =	ssyncset.done $0x0  }
0xa4: {  	s25 =	simm.s32 $0x1B8E;
	s24 =	sld [smem:$0x3FFE];
	[sflag:s23] =	ssyncadd.s32 $0xFFFFFFFF  }
0xa5: {  	s26 =	simm.s32 $execute0_lowered;
	[smem:$0x3FD2] =	sst s25  }
0xa6: {  	s5 =	sshll.u32 s26, $0x1;
	_ =	strace $0x80000049;
	[dreg:$0x1] =	wrdreg $0xFFFFFFFF  }
0xa7: {  	s28 =	simm.s32 $_size_execute0_lowered;
	s3 =	sadd.s32 s3, s5;
	[dreg:$0x0] =	wrdreg $0x0  }
0xa8: {  	s5 =	sshll.u32 s28, $0x1;
	[dreg:$0x2] =	wrdreg s3  }
0xa9: {  	[dreg:$0x3] =	wrdreg s5  }
0xaa: {  	[dreg:$0x4] =	wrdreg $0xC0  }
0xab: {  	_ =	task [dreg:s7], $0x5FFFF  }
0xac: {  	[dreg:$0x1] =	wrdreg $0xFFFFFFFF  }
0xad: {  	[dreg:$0x0] =	wrdreg $0x60  }
0xae: {  	[dreg:$0x2] =	wrdreg s24  }
0xaf: {  	[dreg:$0x3] =	wrdreg s2  }
0xb0: {  	[dreg:$0x4] =	wrdreg $0x80200  }
0xb1: {  	[dreg:$0x5] =	wrdreg $0x9  }
0xb2: {  	_ =	task.clear_ibuf [dreg:s7], $0x6FFFF;
	_ =	strace $0x90000049  }
0xb3: {  	s29 =	simm.s32 $0x9;
	_ =	strace $0x8000004B  }
0xb4: {  	_ =	swait.ge [sflag:s29], $0x1  }
0xb5: {  	[sflag:s29] =	ssyncadd.s32 $0xFFFFFFFF  }
0xb6: {  	_ =	strace $0x9000004B  }
0xb7: {  	_ =	sfence  }
0xb8: {  	s30 =	sld [smem:$0x0];
	_ =	sdelay $0x2  }
0xb9: {  	s31 =	sshll.u32 s1, $0xD;
	s1 =	sshrl.u32 s1, $0x2  }
0xba: {  	s3 =	sand.u32 $0x4000, s31;
	s1 =	sadd.s32 s1, s30  }
0xbb: {  	s0 =	sor.u32 s3, s0;
	s1 =	sshll.u32 s1, $0x11  }
0xbc: {  	s0 =	sor.u32 s1, s0  }
0xbd: {  	s0 =	sadd.s32 $0x8F2B, s0  }
0xbe: {  	[sflag:s0] =	ssyncadd.remote.s32 $0x1  }
0xbf: {  	_ =	sfence.sel $0xFFFF  }
0xc0: {  	[dreg:$0x0] =	wrdreg $0xFFFFFFFF;
	(pc) =	sbr.abs _section_cstart, $3  }
0xc1: {  	[dreg:$0x1] =	wrdreg $0xFFFFFFFF  }
0xc2: {  	_ =	task.clear_ibuf [dreg:s7], $0x2FFFF;
	_ =	strace $0x9FFFFFFF  }
0xc3: {  	(tm) =	ssettm $0x7FFFFFFF  }
tec
execute0_lowered:
.L_overlay_start_1:
0x0: {  	(tag) =	ssettag $0x1  }
0x1: {  	s0 =	rddreg [dreg:$0x0]  }
0x2: {  	s1 =	rddreg [dreg:$0x1]  }
0x3: {  	s3 =	srdreg.scid;
	s12 =	stileid.u32  }
0x4: {  	s2 =	rddreg [dreg:$0x2];
	s5 =	simm.s32 $0x0;
	s10 =	simm.s32 $0xB  }
0x5: {  	s18 =	simm.s32 $0x50;
	s28 =	simm.s32 $0x4;
	s29 =	simm.s32 $0x5  }
0x6: {  	s30 =	simm.s32 $0x6;
	s31 =	simm.s32 $0x7;
	s3 =	sand.u32 $0x1, s3  }
0x7: {  	s4 =	sshll.u32 s12, $0x1;
	[smem:$0x7FF] =	sst s5;
	s8 =	smul.u32 $0x9C40, s12  }
0x8: {  	s5 =	sadd.s32 $0x15000, s0;
	s9 =	smul.u32 $0x13880, s12;
	s26 =	sshll.u32 s12, $0x6  }
0x9: {  	s4 =	sor.u32 s3, s4;
	_ =	strace $0x8000004A;
	s7 =	ssub.s32 $0x2, s3  }
0xa: {  	s3 =	smul.u32 $0x9C400, s3;
	s12 =	sor.u32 $0x1C0B, s26;
	s26 =	simm.s32 $0x3  }
0xb: {  	s19 =	smul.u32 $0x4E2, s4;
	s4 =	sadd.s32 $0x15200, s0;
	s20 =	sshrl.u32 s7, $0x1  }
0xc: {  	s22 =	sshrl.u32 s8, $0x1;
	s23 =	sshrl.u32 s9, $0x2;
	s3 =	sadd.s32 s8, s3  }
0xd: {  	s6 =	sadd.s32 s19, s0;
	s0 =	ssub.s32 s7, s20;
	s7 =	sadd.s32 s23, s2  }
0xe: {  	s3 =	sshrl.u32 s3, $0x4;
	s19 =	simm.s32 $0x4E20;
	s20 =	simm.s32 $0x5820  }
0xf: {  	s23 =	simm.s32 $0x7620;
	s21 =	sadd.s32 $0xAE00, s6;
	s6 =	sadd.s32 $0x1000, s6  }
0x10: {  	s24 =	sadd.s32 $0xFA0, s7;
	s25 =	sadd.s32 $0x1F40, s7;
	[dreg:$0x4] =	wrdreg s21  }
0x11: {  	s11 =	sadd.s32 $0x2EE0, s7;
	s1 =	sadd.s32 s1, s3;
	[dreg:$0x5] =	wrdreg s6  }
0x12: {  	s7 =	sadd.s32 $0x3E80, s7;
	s0 =	smax.u32 s0, $0x1;
	[dreg:$0x6] =	wrdreg s1  }
0x13: {  	s3 =	simm.s32 $0x0;
	s6 =	sadd.s32 s22, s2;
	[dreg:$0x7] =	wrdreg s0  }
0x14: {  	s14 =	sshrl.u32 s24, $0x3;
	s15 =	sshrl.u32 s25, $0x3;
	s16 =	sshrl.u32 s11, $0x3  }
0x15: {  	s17 =	sshrl.u32 s7, $0x3;
	s21 =	simm.s32 $0x6220;
	s22 =	simm.s32 $0x6C20  }
0x16: {  	s24 =	simm.s32 $0x1;
	s25 =	simm.s32 $0x2;
	s1 =	simm.s32 $0x8  }
0x17: {  	s0 =	simm.s32 $0x9;
	s11 =	simm.s32 $0xA;
	s13 =	sshrl.u32 s6, $0x3  }
.LBB2_1:
0x18: {  	s6 =	simm.s32 $0x0;
	s7 =	rddreg [dreg:$0x4]  }
0x19: {  	[tilespmem:s6], [sflag:$0xB] =	stream.linear.gather [hbm4b:s7+s6], $0x2710, $0x38;
	[tilespmem:$0xCE40] =	vst v63  }
0x1a: {  	_ =	swait.ge [sflag:s10], $0x2710  }
0x1b: {  	[sflag:s10] =	ssyncset.done $0x0  }
0x1c: {  	s8 =	simm.s32 $0x2710;
	s9 =	rddreg [dreg:$0x5];
	[sflag:s10] =	ssyncadd.s32 $0xFFFFD8F0  }
0x1d: {  	[tilespmem:s8], [sflag:$0xB] =	stream.linear.gather [hbm4b:s9+s6], $0x2710, $0x38;
	[tilespmem:$0xCE40] =	vst v63  }
0x1e: {  	_ =	swait.ge [sflag:s10], $0x2710  }
0x1f: {  	[sflag:s10] =	ssyncset.done $0x0  }
0x20: {  	[sflag:s10] =	ssyncadd.s32 $0xFFFFD8F0  }
0x21: {  	[spmem:s13], [sflag:s12] =	dma.local [hbm:s5], $0x1F4  }
0x22: {  	_ =	swait.ge [sflag:s10], $0x1F4  }
0x23: {  	[sflag:s10] =	ssyncset.done $0x0  }
0x24: {  	[sflag:s10] =	ssyncadd.s32 $0xFFFFFE0C  }
0x25: {  	[spmem:s14], [sflag:s12] =	dma.local [hbm:s5], $0x1F4  }
0x26: {  	_ =	swait.ge [sflag:s10], $0x1F4  }
0x27: {  	[sflag:s10] =	ssyncset.done $0x0  }
0x28: {  	[sflag:s10] =	ssyncadd.s32 $0xFFFFFE0C  }
0x29: {  	[spmem:s15], [sflag:s12] =	dma.local [hbm:s5], $0x1F4  }
0x2a: {  	_ =	swait.ge [sflag:s10], $0x1F4  }
0x2b: {  	[sflag:s10] =	ssyncset.done $0x0  }
0x2c: {  	[sflag:s10] =	ssyncadd.s32 $0xFFFFFE0C  }
0x2d: {  	[spmem:s16], [sflag:s12] =	dma.local [hbm:s5], $0x1F4  }
0x2e: {  	_ =	swait.ge [sflag:s10], $0x1F4  }
0x2f: {  	[sflag:s10] =	ssyncset.done $0x0  }
0x30: {  	[sflag:s10] =	ssyncadd.s32 $0xFFFFFE0C  }
0x31: {  	[spmem:s17], [sflag:s12] =	dma.local [hbm:s5], $0x1F4  }
0x32: {  	_ =	swait.ge [sflag:s10], $0x1F4  }
0x33: {  	[sflag:s10] =	ssyncset.done $0x0  }
0x34: {  	[sflag:s10] =	ssyncadd.s32 $0xFFFFFE0C  }
0x35: {  	s9 =	simm.s32 $0x0;
	[bflag:$0x0] =	sbarrier.arrive $0xFFFF  }
0x36: {  	[tilespmem:s19], [sflag:$0x1] =	stream.indirect.gather [hbm4b:s4+s18], $0x20, s9, s18, $0xb8;
	[tilespmem:$0xCE40] =	vst v63  }
0x37: {  	s7 =	simm.s32 $0x50  }
0x38: {  	[tilespmem:s20], [sflag:$0x2] =	stream.indirect.gather [hbm4b:s4+s18], $0x20, s7, s18, $0xb8;
	[tilespmem:$0xCE40] =	vst v63  }
0x39: {  	s8 =	simm.s32 $0xA0  }
0x3a: {  	[tilespmem:s21], [sflag:$0x3] =	stream.indirect.gather [hbm4b:s4+s18], $0x20, s8, s18, $0xb8;
	[tilespmem:$0xCE40] =	vst v63  }
0x3b: {  	s9 =	simm.s32 $0xF0  }
0x3c: {  	[tilespmem:s22], [sflag:$0x4] =	stream.indirect.gather [hbm4b:s4+s18], $0x20, s9, s18, $0xb8;
	[tilespmem:$0xCE40] =	vst v63  }
0x3d: {  	s7 =	simm.s32 $0x140  }
0x3e: {  	[tilespmem:s23], [sflag:$0x5] =	stream.indirect.gather [hbm4b:s4+s18], $0x20, s7, s18, $0xb8;
	[tilespmem:$0xCE40] =	vst v63  }
0x3f: {  	_ =	swait.ge [sflag:s24], $0xA00  }
0x40: {  	[sflag:s24] =	ssyncset.done $0x0  }
0x41: {  	s8 =	simm.s32 $0x2710;
	[sflag:s24] =	ssyncadd.s32 $0xFFFFF600  }
0x42: {  	[spmem:s2] =	stream.indirect.scatter.add.bf16 [tilespmem:s19], [sflag:$0x6], $0x20, s8, s18, $0xb8;
	[tilespmem:$0xCE40] =	vst v63  }
0x43: {  	_ =	swait.ge [sflag:s25], $0xA00  }
0x44: {  	[sflag:s25] =	ssyncset.done $0x0  }
0x45: {  	s9 =	simm.s32 $0x2760;
	[sflag:s25] =	ssyncadd.s32 $0xFFFFF600  }
0x46: {  	[spmem:s2] =	stream.indirect.scatter.add.bf16 [tilespmem:s20], [sflag:$0x7], $0x20, s9, s18, $0xb8;
	[tilespmem:$0xCE40] =	vst v63  }
0x47: {  	_ =	swait.ge [sflag:s26], $0xA00  }
0x48: {  	[sflag:s26] =	ssyncset.done $0x0  }
0x49: {  	s7 =	simm.s32 $0x27B0;
	[sflag:s26] =	ssyncadd.s32 $0xFFFFF600  }
0x4a: {  	[spmem:s2] =	stream.indirect.scatter.add.bf16 [tilespmem:s21], [sflag:$0x8], $0x20, s7, s18, $0xb8;
	[tilespmem:$0xCE40] =	vst v63  }
0x4b: {  	_ =	swait.ge [sflag:s28], $0xA00  }
0x4c: {  	[sflag:s28] =	ssyncset.done $0x0  }
0x4d: {  	s8 =	simm.s32 $0x2800;
	[sflag:s28] =	ssyncadd.s32 $0xFFFFF600  }
0x4e: {  	[spmem:s2] =	stream.indirect.scatter.add.bf16 [tilespmem:s22], [sflag:$0x9], $0x20, s8, s18, $0xb8;
	[tilespmem:$0xCE40] =	vst v63  }
0x4f: {  	_ =	swait.ge [sflag:s29], $0xA00  }
0x50: {  	[sflag:s29] =	ssyncset.done $0x0  }
0x51: {  	s9 =	simm.s32 $0x2850;
	[sflag:s29] =	ssyncadd.s32 $0xFFFFF600  }
0x52: {  	[spmem:s2] =	stream.indirect.scatter.add.bf16 [tilespmem:s23], [sflag:$0xA], $0x20, s9, s18, $0xb8;
	[tilespmem:$0xCE40] =	vst v63  }
0x53: {  	_ =	swait.ge [sflag:s30], $0xA00  }
0x54: {  	[sflag:s30] =	ssyncset.done $0x0  }
0x55: {  	[sflag:s30] =	ssyncadd.s32 $0xFFFFF600  }
0x56: {  	_ =	swait.ge [sflag:s31], $0xA00  }
0x57: {  	[sflag:s31] =	ssyncset.done $0x0  }
0x58: {  	[sflag:s31] =	ssyncadd.s32 $0xFFFFF600  }
0x59: {  	_ =	swait.ge [sflag:s1], $0xA00  }
0x5a: {  	[sflag:s1] =	ssyncset.done $0x0  }
0x5b: {  	[sflag:s1] =	ssyncadd.s32 $0xFFFFF600  }
0x5c: {  	_ =	swait.ge [sflag:s0], $0xA00  }
0x5d: {  	[sflag:s0] =	ssyncset.done $0x0  }
0x5e: {  	[sflag:s0] =	ssyncadd.s32 $0xFFFFF600  }
0x5f: {  	_ =	swait.ge [sflag:s11], $0xA00  }
0x60: {  	s6 =	simm.s32 $0x640;
	s7 =	simm.s32 $0xC80;
	[sflag:s11] =	ssyncset.done $0x0  }
.LBB2_2:
0x61: {  	s8 =	sshra.s32 s6, $0x2  }
0x62: {  	[sflag:s11] =	ssyncadd.s32 $0xFFFFF600;
	s6 =	smov.u32 s7;
	s9 =	sadd.s32 $0x640, s7  }
0x63: {  	[tilespmem:s19], [sflag:$0x1] =	stream.indirect.gather [hbm4b:s4+s18], $0x20, s8, s18, $0xb8;
	[tilespmem:$0xCE40] =	vst v63  }
0x64: {  	p0 =	sne.s32 s7, $0x9600;
	s7 =	sadd.s32 $0x50, s8  }
0x65: {  	[tilespmem:s20], [sflag:$0x2] =	stream.indirect.gather [hbm4b:s4+s18], $0x20, s7, s18, $0xb8;
	[tilespmem:$0xCE40] =	vst v63  }
0x66: {  	s7 =	sadd.s32 $0xA0, s8  }
0x67: {  	[tilespmem:s21], [sflag:$0x3] =	stream.indirect.gather [hbm4b:s4+s18], $0x20, s7, s18, $0xb8;
	[tilespmem:$0xCE40] =	vst v63  }
0x68: {  	s7 =	sadd.s32 $0xF0, s8  }
0x69: {  	[tilespmem:s22], [sflag:$0x4] =	stream.indirect.gather [hbm4b:s4+s18], $0x20, s7, s18, $0xb8;
	[tilespmem:$0xCE40] =	vst v63  }
0x6a: {  	s7 =	sadd.s32 $0x140, s8  }
0x6b: {  	[tilespmem:s23], [sflag:$0x5] =	stream.indirect.gather [hbm4b:s4+s18], $0x20, s7, s18, $0xb8;
	[tilespmem:$0xCE40] =	vst v63  }
0x6c: {  	_ =	swait.ge [sflag:s24], $0xA00  }
0x6d: {  	[sflag:s24] =	ssyncset.done $0x0  }
0x6e: {  	s7 =	sadd.s32 $0x2710, s8;
	[sflag:s24] =	ssyncadd.s32 $0xFFFFF600  }
0x6f: {  	[spmem:s2] =	stream.indirect.scatter.add.bf16 [tilespmem:s19], [sflag:$0x6], $0x20, s7, s18, $0xb8;
	[tilespmem:$0xCE40] =	vst v63  }
0x70: {  	_ =	swait.ge [sflag:s25], $0xA00  }
0x71: {  	[sflag:s25] =	ssyncset.done $0x0  }
0x72: {  	s7 =	sadd.s32 $0x2760, s8;
	[sflag:s25] =	ssyncadd.s32 $0xFFFFF600  }
0x73: {  	[spmem:s2] =	stream.indirect.scatter.add.bf16 [tilespmem:s20], [sflag:$0x7], $0x20, s7, s18, $0xb8;
	[tilespmem:$0xCE40] =	vst v63  }
0x74: {  	_ =	swait.ge [sflag:s26], $0xA00  }
0x75: {  	[sflag:s26] =	ssyncset.done $0x0  }
0x76: {  	s7 =	sadd.s32 $0x27B0, s8;
	[sflag:s26] =	ssyncadd.s32 $0xFFFFF600  }
0x77: {  	[spmem:s2] =	stream.indirect.scatter.add.bf16 [tilespmem:s21], [sflag:$0x8], $0x20, s7, s18, $0xb8;
	[tilespmem:$0xCE40] =	vst v63  }
0x78: {  	_ =	swait.ge [sflag:s28], $0xA00  }
0x79: {  	[sflag:s28] =	ssyncset.done $0x0  }
0x7a: {  	s7 =	sadd.s32 $0x2800, s8;
	[sflag:s28] =	ssyncadd.s32 $0xFFFFF600  }
0x7b: {  	[spmem:s2] =	stream.indirect.scatter.add.bf16 [tilespmem:s22], [sflag:$0x9], $0x20, s7, s18, $0xb8;
	[tilespmem:$0xCE40] =	vst v63  }
0x7c: {  	_ =	swait.ge [sflag:s29], $0xA00  }
0x7d: {  	[sflag:s29] =	ssyncset.done $0x0  }
0x7e: {  	s7 =	sadd.s32 $0x2850, s8;
	[sflag:s29] =	ssyncadd.s32 $0xFFFFF600  }
0x7f: {  	[spmem:s2] =	stream.indirect.scatter.add.bf16 [tilespmem:s23], [sflag:$0xA], $0x20, s7, s18, $0xb8;
	[tilespmem:$0xCE40] =	vst v63  }
0x80: {  	_ =	swait.ge [sflag:s30], $0xA00  }
0x81: {  	[sflag:s30] =	ssyncset.done $0x0  }
0x82: {  	[sflag:s30] =	ssyncadd.s32 $0xFFFFF600  }
0x83: {  	_ =	swait.ge [sflag:s31], $0xA00  }
0x84: {  	[sflag:s31] =	ssyncset.done $0x0  }
0x85: {  	[sflag:s31] =	ssyncadd.s32 $0xFFFFF600  }
0x86: {  	_ =	swait.ge [sflag:s1], $0xA00  }
0x87: {  	[sflag:s1] =	ssyncset.done $0x0  }
0x88: {  	[sflag:s1] =	ssyncadd.s32 $0xFFFFF600  }
.Ltmp0:
0x89: {  	_ =	swait.ge [sflag:s0], $0xA00;
	(pc) =	sbr.rel @p0 .LBB2_2-.Ltmp0, $4  }
0x8a: {  	[sflag:s0] =	ssyncset.done $0x0  }
0x8b: {  	[sflag:s0] =	ssyncadd.s32 $0xFFFFF600  }
0x8c: {  	_ =	swait.ge [sflag:s11], $0xA00  }
0x8d: {  	s7 =	smov.u32 s9;
	[sflag:s11] =	ssyncset.done $0x0  }
0x8e: {  	s6 =	sshra.s32 s6, $0x2;
	[sflag:s11] =	ssyncadd.s32 $0xFFFFF600  }
0x8f: {  	[tilespmem:s19], [sflag:$0x1] =	stream.indirect.gather [hbm4b:s4+s18], $0x20, s6, s18, $0xb8;
	[tilespmem:$0xCE40] =	vst v63  }
0x90: {  	s7 =	sadd.s32 $0x50, s6  }
0x91: {  	[tilespmem:s20], [sflag:$0x2] =	stream.indirect.gather [hbm4b:s4+s18], $0x20, s7, s18, $0xb8;
	[tilespmem:$0xCE40] =	vst v63  }
0x92: {  	s9 =	sadd.s32 $0xA0, s6  }
0x93: {  	[tilespmem:s21], [sflag:$0x3] =	stream.indirect.gather [hbm4b:s4+s18], $0x20, s9, s18, $0xb8;
	[tilespmem:$0xCE40] =	vst v63  }
0x94: {  	s8 =	sadd.s32 $0xF0, s6  }
0x95: {  	[tilespmem:s22], [sflag:$0x4] =	stream.indirect.gather [hbm4b:s4+s18], $0x20, s8, s18, $0xb8;
	[tilespmem:$0xCE40] =	vst v63  }
0x96: {  	s9 =	sadd.s32 $0x140, s6  }
0x97: {  	[tilespmem:s23], [sflag:$0x5] =	stream.indirect.gather [hbm4b:s4+s18], $0x20, s9, s18, $0xb8;
	[tilespmem:$0xCE40] =	vst v63  }
0x98: {  	_ =	swait.ge [sflag:s24], $0xA00  }
0x99: {  	[sflag:s24] =	ssyncset.done $0x0  }
0x9a: {  	s8 =	sadd.s32 $0x2710, s6;
	[sflag:s24] =	ssyncadd.s32 $0xFFFFF600  }
0x9b: {  	[spmem:s2] =	stream.indirect.scatter.add.bf16 [tilespmem:s19], [sflag:$0x6], $0x20, s8, s18, $0xb8;
	[tilespmem:$0xCE40] =	vst v63  }
0x9c: {  	_ =	swait.ge [sflag:s25], $0xA00  }
0x9d: {  	[sflag:s25] =	ssyncset.done $0x0  }
0x9e: {  	s9 =	sadd.s32 $0x2760, s6;
	[sflag:s25] =	ssyncadd.s32 $0xFFFFF600  }
0x9f: {  	[spmem:s2] =	stream.indirect.scatter.add.bf16 [tilespmem:s20], [sflag:$0x7], $0x20, s9, s18, $0xb8;
	[tilespmem:$0xCE40] =	vst v63  }
0xa0: {  	_ =	swait.ge [sflag:s26], $0xA00  }
0xa1: {  	[sflag:s26] =	ssyncset.done $0x0  }
0xa2: {  	s8 =	sadd.s32 $0x27B0, s6;
	[sflag:s26] =	ssyncadd.s32 $0xFFFFF600  }
0xa3: {  	[spmem:s2] =	stream.indirect.scatter.add.bf16 [tilespmem:s21], [sflag:$0x8], $0x20, s8, s18, $0xb8;
	[tilespmem:$0xCE40] =	vst v63  }
0xa4: {  	_ =	swait.ge [sflag:s28], $0xA00  }
0xa5: {  	[sflag:s28] =	ssyncset.done $0x0  }
0xa6: {  	s9 =	sadd.s32 $0x2800, s6;
	[sflag:s28] =	ssyncadd.s32 $0xFFFFF600  }
0xa7: {  	[spmem:s2] =	stream.indirect.scatter.add.bf16 [tilespmem:s22], [sflag:$0x9], $0x20, s9, s18, $0xb8;
	[tilespmem:$0xCE40] =	vst v63  }
0xa8: {  	_ =	swait.ge [sflag:s29], $0xA00  }
0xa9: {  	[sflag:s29] =	ssyncset.done $0x0  }
0xaa: {  	s6 =	sadd.s32 $0x2850, s6;
	[sflag:s29] =	ssyncadd.s32 $0xFFFFF600  }
0xab: {  	[spmem:s2] =	stream.indirect.scatter.add.bf16 [tilespmem:s23], [sflag:$0xA], $0x20, s6, s18, $0xb8;
	[tilespmem:$0xCE40] =	vst v63  }
0xac: {  	_ =	swait.ge [sflag:s30], $0xA00  }
0xad: {  	[sflag:s30] =	ssyncset.done $0x0  }
0xae: {  	[sflag:s30] =	ssyncadd.s32 $0xFFFFF600  }
0xaf: {  	_ =	swait.ge [sflag:s31], $0xA00  }
0xb0: {  	[sflag:s31] =	ssyncset.done $0x0  }
0xb1: {  	[sflag:s31] =	ssyncadd.s32 $0xFFFFF600  }
0xb2: {  	_ =	swait.ge [sflag:s1], $0xA00  }
0xb3: {  	[sflag:s1] =	ssyncset.done $0x0  }
0xb4: {  	[sflag:s1] =	ssyncadd.s32 $0xFFFFF600  }
0xb5: {  	_ =	swait.ge [sflag:s0], $0xA00  }
0xb6: {  	[sflag:s0] =	ssyncset.done $0x0  }
0xb7: {  	[sflag:s0] =	ssyncadd.s32 $0xFFFFF600  }
0xb8: {  	_ =	swait.ge [sflag:s11], $0xA00  }
0xb9: {  	[sflag:s11] =	ssyncset.done $0x0  }
0xba: {  	[sflag:s11] =	ssyncadd.s32 $0xFFFFF600  }
0xbb: {  	[bflag:$0x0] =	sbarrier.arrive $0xFFFF  }
0xbc: {  	s8 =	rddreg [dreg:$0x6]  }
0xbd: {  	[hbm:s8], [sflag:s12] =	dma.local [spmem:s13], $0x9C4  }
0xbe: {  	_ =	swait.ge [sflag:s10], $0x9C4  }
0xbf: {  	s3 =	sadd.s32 $0x1, s3;
	s9 =	rddreg [dreg:$0x7]  }
0xc0: {  	p0 =	sne.s32 s3, s9  }
.Ltmp1:
0xc1: {  	_ = 	snop;
	(pc) =	sbr.rel @p0 .LBB2_1-.Ltmp1, $3  }
0xc2: {  	_ =	sdelay $0x1  }
0xc3: {  	[sflag:s10] =	ssyncset.done $0x0  }
0xc4: {  	[sflag:s10] =	ssyncadd.s32 $0xFFFFF63C  }
0xc5: {  	_ =	sfence.sel $0x180000  }
0xc6: {  	[bflag:$0x0] =	sbarrier.arrive $0xFFFF  }
0xc7: {  	_ =	strace $0x9000004A  }
0xc8: {  	s0 =	stileid.u32;
	[bflag:$0x2] =	sbarrier.arrive $0xFFFF  }
0xc9: {  	p0 =	sne.s32 s0, $0x0;
	s0 =	rddreg [dreg:$0x3]  }
0xca: {  	s0 =	sadd.s32 @!p0 $0x100000, s0  }
0xcb: {  	[sflag:s0] =	ssyncadd.tile.s32 @!p0 $0x1;
	_ =	shalt  }
.Lfunc_end2:
_tile_overlayer_lowered:
.L_overlay_start_2:
0xcc: {  	(tag) =	ssettag $0x2  }
0xcd: {  	s0 =	rddreg [dreg:$0x0];
	s2 =	stileid.u32  }
0xce: {  	s1 =	rddreg [dreg:$0x1];
	p0 =	sne.s32 s2, $0x0  }
0xcf: {  	s3 =	rddreg [dreg:$0x2];
	[bflag:$0x3] =	sbarrier.arrive $0xFFFF;
	s2 =	simm.s32 @!p0 $0x1C0B  }
0xd0: {  	[timem:s3], [sflag:s2] =	dma.local @!p0 [hbm:s0], s1  }
0xd1: {  	s0 =	simm.s32 @!p0 $0xB  }
0xd2: {  	_ =	swait.ge @!p0 [sflag:s0], s1  }
0xd3: {  	s1 =	ssub.s32 @!p0 $0x0, s1;
	[sflag:s0] =	ssyncset.done @!p0 $0x0  }
0xd4: {  	[sflag:s0] =	ssyncadd.s32 @!p0 s1  }
0xd5: {  	[bflag:$0x3] =	sbarrier.arrive $0xFFFF  }
0xd6: {  	_ =	shalt  }

</sc_bundles>
